<compile_context>
chip_gen: v7x
topology: tpu7x:2x2x1
jax: 0.10.2.dev20260603
libtpu: 0.0.44.dev20260713+nightly
codegen_flags: <defaults>
</compile_context>

<pallas_src>
import functools
import math

import jax
import jax.numpy as jnp
from jax import lax
from jax.experimental import pallas as pl
from jax.experimental.pallas import tpu as pltpu
from jax.experimental.pallas import tpu_sc as plsc

VOCAB = 100000
HIDDEN = 1024
EPS = 1e-06
LANES = 16
SCALE = math.sqrt(HIDDEN)
NBUF = 5
PREFETCH = 2
CHUNK = 16


def _make_kernel(num_tokens):
    info = plsc.get_sparse_core_info()
    nw = info.num_cores * info.num_subcores
    assert num_tokens % nw == 0
    tok_per_w = num_tokens // nw
    assert tok_per_w % CHUNK == 0
    n_chunks = tok_per_w // CHUNK
    jvec = HIDDEN // LANES

    mesh = plsc.VectorSubcoreMesh(core_axis_name="c", subcore_axis_name="s")

    @functools.partial(
        pl.kernel,
        mesh=mesh,
        out_type=jax.ShapeDtypeStruct((num_tokens, HIDDEN), jnp.float32),
        scratch_types=[
            pltpu.VMEM((n_chunks, CHUNK), jnp.int32),
            pltpu.VMEM((NBUF, CHUNK, HIDDEN), jnp.float32),
            pltpu.VMEM((HIDDEN,), jnp.float32),
            pltpu.SemaphoreType.DMA((NBUF,)),
            pltpu.SemaphoreType.DMA((NBUF,)),
        ],
    )
    def k(ids_hbm, table_hbm, nwt_hbm, out_hbm, idx_v, buf_v, nwt_v, gsem, ssem):
        wid = lax.axis_index("s") * info.num_cores + lax.axis_index("c")
        base = wid * tok_per_w
        pltpu.sync_copy(ids_hbm.at[pl.ds(wid * n_chunks, n_chunks)], idx_v)
        pltpu.sync_copy(nwt_hbm, nwt_v)

        def gstart(c, b):
            pltpu.async_copy(
                table_hbm.at[idx_v.at[c]], buf_v.at[b], gsem.at[b]
            )

        def gwait(c, b):
            pltpu.make_async_copy(
                table_hbm.at[idx_v.at[c]], buf_v.at[b], gsem.at[b]
            ).wait()

        def sstart(c, b):
            pltpu.async_copy(
                buf_v.at[b],
                out_hbm.at[pl.ds(base + c * CHUNK, CHUNK)],
                ssem.at[b],
            )

        def swait(c, b):
            pltpu.make_async_copy(
                buf_v.at[b],
                out_hbm.at[pl.ds(base + c * CHUNK, CHUNK)],
                ssem.at[b],
            ).wait()

        lane_iota = lax.iota(jnp.int32, LANES)

        def compute(b):
            def _row_ss(r, ss):
                accs = [jnp.zeros((LANES,), jnp.float32) for _ in range(4)]
                for j in range(jvec):
                    v = buf_v[b, r, pl.ds(j * LANES, LANES)]
                    accs[j % 4] = accs[j % 4] + v * v
                acc = (accs[0] + accs[1]) + (accs[2] + accs[3])
                for s in (8, 4, 2, 1):
                    perm = lane_iota ^ s
                    acc = acc + acc.at[perm].get(mode="promise_in_bounds")
                return jnp.where(lane_iota == r, acc, ss)

            ss = lax.fori_loop(
                0, LANES, _row_ss, jnp.zeros((LANES,), jnp.float32)
            )

            vv = ss + EPS
            i = lax.bitcast_convert_type(vv, jnp.int32)
            i = jnp.int32(0x5F3759DF) - (i >> 1)
            y = lax.bitcast_convert_type(i, jnp.float32)
            for _ in range(3):
                y = y * (1.5 - 0.5 * vv * y * y)
            y = y * SCALE

            ys = [
                y.at[jnp.full((LANES,), r, jnp.int32)].get(
                    mode="promise_in_bounds"
                )
                for r in range(LANES)
            ]

            def _col(j2, _):
                for dj in range(2):
                    j = j2 * 2 + dj
                    js = pl.ds(j * LANES, LANES)
                    w = nwt_v[js]
                    for r in range(LANES):
                        buf_v[b, r, js] = buf_v[b, r, js] * ys[r] * w
                return 0

            lax.fori_loop(0, jvec // 2, _col, 0)

        for p in range(PREFETCH):
            gstart(p, p)

        def chunk_body(c, _):
            b = lax.rem(c, NBUF)
            nb = lax.rem(c + PREFETCH, NBUF)

            @pl.when(
                jnp.logical_and(c >= NBUF - PREFETCH, c + PREFETCH < n_chunks)
            )
            def _():
                swait(c + PREFETCH - NBUF, nb)

            @pl.when(c + PREFETCH < n_chunks)
            def _():
                gstart(c + PREFETCH, nb)

            gwait(c, b)
            compute(b)
            sstart(c, b)
            return 0

        lax.fori_loop(0, n_chunks, chunk_body, 0)
        for t in range(NBUF):
            c = n_chunks - NBUF + t
            swait(c, lax.rem(jnp.int32(c), NBUF))

    return k


def kernel(input_ids, embed_weight, norm_weight):
    b, t = input_ids.shape
    ids = input_ids.reshape(b * t // CHUNK, CHUNK)
    k = _make_kernel(b * t)
    out = k(ids, embed_weight, norm_weight)
    return out.reshape(b, t, HIDDEN)

# --- scband reference (transcript-rebuilt; emitter-appended) ---
"""Pipeline reference for scband-token-embedding-5557687681263 (READ-ONLY COPY).

The authoritative reference and input builder live on the scoring server;
editing this copy changes nothing except your own understanding.
"""

import jax, jax.numpy as jnp
import numpy as np
import math

VOCAB = 100000
HIDDEN = 1024
EPS = 1e-06
B, T = 4, 4096


def setup_inputs(seed: int = 0) -> dict:
    key = jax.random.key(seed)
    k1, k2 = jax.random.split(key, 2)
    input_ids = jax.random.randint(k1, (B, T), 0, VOCAB, dtype=jnp.int32)
    embed_weight = jax.random.normal(k2, (VOCAB, HIDDEN), dtype=jnp.float32) * 0.02
    norm_weight = jnp.ones((HIDDEN,), dtype=jnp.float32)
    return {"input_ids": input_ids, "embed_weight": embed_weight, "norm_weight": norm_weight}


def reference(input_ids, embed_weight, norm_weight):
    # embedding gather + sqrt(D) scaling
    x = jnp.take(embed_weight, input_ids, axis=0) * math.sqrt(HIDDEN)
    # RMSNorm (post_embed_norm=True)
    var = jnp.mean(x * x, axis=-1, keepdims=True)
    x = x * jax.lax.rsqrt(var + EPS)
    x = x * norm_weight
    return x

if __name__ == "__main__":
    import jax
    _d = setup_inputs()
    print(jax.jit(kernel)(*tuple(_d.values())))

</pallas_src>

<mosaic_0001>
#map = affine_map<(d0, d1) -> (0, 0)>
#map1 = affine_map<(d0, d1) -> (0)>
module attributes {stable_mosaic.version = 14 : i64} {
  func.func @k(%arg0: i32, %arg1: i32, %arg2: memref<1024x16xi32, #tpu.memory_space<hbm>>, %arg3: memref<100000x1024xf32, #tpu.memory_space<hbm>>, %arg4: memref<1024xf32, #tpu.memory_space<hbm>>, %arg5: memref<16384x1024xf32, #tpu.memory_space<hbm>>, %arg6: memref<32x16xi32, #tpu.memory_space<vmem>>, %arg7: memref<5x16x1024xf32, #tpu.memory_space<vmem>>, %arg8: memref<1024xf32, #tpu.memory_space<vmem>>, %arg9: memref<5x!tpu.dma_semaphore, #tpu.memory_space<semaphore_mem>>, %arg10: memref<5x!tpu.dma_semaphore, #tpu.memory_space<semaphore_mem>>) attributes {dimension_semantics = [#tpu.dimension_semantics<core_parallel>, #tpu.dimension_semantics<subcore_parallel>], iteration_bounds = array<i64: 2, 16>, scalar_prefetch = 0 : i64, scratch_operands = 5 : i64, tpu.core_type = #tpu.core_type<sc_vector_subcore>, window_params = [{transform_indices = #map}, {transform_indices = #map}, {transform_indices = #map1}, {transform_indices = #map}]} {
    %mul3A = arith.constant 2 : i32
    %mul3A_0 = arith.muli %arg1, %mul3A : i32
    %add3A = arith.addi %mul3A_0, %arg0 : i32
    %mul3A_1 = arith.constant 512 : i32
    %mul3A_2 = arith.muli %add3A, %mul3A_1 : i32
    %mul3A_3 = arith.constant 32 : i32
    %mul3A_4 = arith.muli %add3A, %mul3A_3 : i32
    "tpu.region"() ({
      %run_scoped3A = tpu.sem_alloc : memref<!tpu.dma_semaphore, #tpu.memory_space<semaphore_mem>>
      %dma_start3A_133 = arith.constant 0 : i32
      %dma_start3A_134 = tpu.memref_slice %arg2[%mul3A_4, %dma_start3A_133] : memref<1024x16xi32, #tpu.memory_space<hbm>> -> memref<32x16xi32, #tpu.memory_space<hbm>>
      %dma_start3A_135 = arith.constant 0 : i32
      %dma_start3A_136 = tpu.memref_slice %arg2[%mul3A_4, %dma_start3A_135] : memref<1024x16xi32, #tpu.memory_space<hbm>> -> memref<32x16xi32, #tpu.memory_space<hbm>>
      tpu.enqueue_dma source(%dma_start3A_136 : memref<32x16xi32, #tpu.memory_space<hbm>>) target(%arg6 : memref<32x16xi32, #tpu.memory_space<vmem>>) target_semaphore(%run_scoped3A : memref<!tpu.dma_semaphore, #tpu.memory_space<semaphore_mem>>)
      %dma_wait3A_137 = arith.constant 0 : i32
      %dma_wait3A_138 = tpu.memref_slice %arg2[%mul3A_4, %dma_wait3A_137] : memref<1024x16xi32, #tpu.memory_space<hbm>> -> memref<32x16xi32, #tpu.memory_space<hbm>>
      %dma_wait3A_139 = arith.constant 0 : i32
      %dma_wait3A_140 = tpu.memref_slice %arg2[%mul3A_4, %dma_wait3A_139] : memref<1024x16xi32, #tpu.memory_space<hbm>> -> memref<32x16xi32, #tpu.memory_space<hbm>>
      tpu.wait_dma2 semaphore(%run_scoped3A : memref<!tpu.dma_semaphore, #tpu.memory_space<semaphore_mem>>) src(%dma_wait3A_140 : memref<32x16xi32, #tpu.memory_space<hbm>>) dst(%arg6 : memref<32x16xi32, #tpu.memory_space<vmem>>)
      tpu.yield
    }) : () -> ()
    "tpu.region"() ({
      %run_scoped3A = tpu.sem_alloc : memref<!tpu.dma_semaphore, #tpu.memory_space<semaphore_mem>>
      tpu.enqueue_dma source(%arg4 : memref<1024xf32, #tpu.memory_space<hbm>>) target(%arg8 : memref<1024xf32, #tpu.memory_space<vmem>>) target_semaphore(%run_scoped3A : memref<!tpu.dma_semaphore, #tpu.memory_space<semaphore_mem>>)
      tpu.wait_dma2 semaphore(%run_scoped3A : memref<!tpu.dma_semaphore, #tpu.memory_space<semaphore_mem>>) src(%arg4 : memref<1024xf32, #tpu.memory_space<hbm>>) dst(%arg8 : memref<1024xf32, #tpu.memory_space<vmem>>)
      tpu.yield
    }) : () -> ()
    %iota3A = tpu.iota {dimensions = array<i32: 0>} : vector<16xi32>
    %dma_start3A = arith.constant 0 : i32
    %dma_start3A_5 = arith.constant 0 : i32
    %dma_start3A_6 = arith.constant 0 : i32
    %dma_start3A_7 = arith.constant 0 : i32
    %dma_start3A_8 = arith.constant 0 : i32
    %dma_start3A_9 = tpu.memref_slice %arg7[%dma_start3A_5, %dma_start3A_7, %dma_start3A_8] : memref<5x16x1024xf32, #tpu.memory_space<vmem>> -> memref<1x16x1024xf32, #tpu.memory_space<vmem>>
    %dma_start3A_10 = tpu.memref_squeeze %dma_start3A_9 : memref<1x16x1024xf32, #tpu.memory_space<vmem>> -> memref<16x1024xf32, #tpu.memory_space<vmem>>
    %dma_start3A_11 = arith.constant 0 : i32
    %dma_start3A_12 = tpu.memref_slice %arg6[%dma_start3A, %dma_start3A_11] : memref<32x16xi32, #tpu.memory_space<vmem>> -> memref<1x16xi32, #tpu.memory_space<vmem>>
    %dma_start3A_13 = tpu.memref_squeeze %dma_start3A_12 : memref<1x16xi32, #tpu.memory_space<vmem>> -> memref<16xi32, #tpu.memory_space<vmem>>
    %dma_start3A_14 = arith.constant 0 : i32
    %dma_start3A_15 = arith.constant 0 : i32
    %dma_start3A_16 = tpu.memref_slice %arg3[%dma_start3A_14, %dma_start3A_15] : memref<100000x1024xf32, #tpu.memory_space<hbm>> -> memref<100000x1024xf32, #tpu.memory_space<hbm>>
    %dma_start3A_17 = tpu.memref_slice %arg9[%dma_start3A_6] : memref<5x!tpu.dma_semaphore, #tpu.memory_space<semaphore_mem>> -> memref<1x!tpu.dma_semaphore, #tpu.memory_space<semaphore_mem>>
    %dma_start3A_18 = tpu.memref_squeeze %dma_start3A_17 : memref<1x!tpu.dma_semaphore, #tpu.memory_space<semaphore_mem>> -> memref<!tpu.dma_semaphore, #tpu.memory_space<semaphore_mem>>
    tpu.enqueue_indirect_dma source(%dma_start3A_16 : memref<100000x1024xf32, #tpu.memory_space<hbm>>) target(%dma_start3A_10 : memref<16x1024xf32, #tpu.memory_space<vmem>>) offsets(%dma_start3A_13 : memref<16xi32, #tpu.memory_space<vmem>>) semaphore(%dma_start3A_18 : memref<!tpu.dma_semaphore, #tpu.memory_space<semaphore_mem>>)
    %dma_start3A_19 = arith.constant 1 : i32
    %dma_start3A_20 = arith.constant 1 : i32
    %dma_start3A_21 = arith.constant 1 : i32
    %dma_start3A_22 = arith.constant 0 : i32
    %dma_start3A_23 = arith.constant 0 : i32
    %dma_start3A_24 = tpu.memref_slice %arg7[%dma_start3A_20, %dma_start3A_22, %dma_start3A_23] : memref<5x16x1024xf32, #tpu.memory_space<vmem>> -> memref<1x16x1024xf32, #tpu.memory_space<vmem>>
    %dma_start3A_25 = tpu.memref_squeeze %dma_start3A_24 : memref<1x16x1024xf32, #tpu.memory_space<vmem>> -> memref<16x1024xf32, #tpu.memory_space<vmem>>
    %dma_start3A_26 = arith.constant 0 : i32
    %dma_start3A_27 = tpu.memref_slice %arg6[%dma_start3A_19, %dma_start3A_26] : memref<32x16xi32, #tpu.memory_space<vmem>> -> memref<1x16xi32, #tpu.memory_space<vmem>>
    %dma_start3A_28 = tpu.memref_squeeze %dma_start3A_27 : memref<1x16xi32, #tpu.memory_space<vmem>> -> memref<16xi32, #tpu.memory_space<vmem>>
    %dma_start3A_29 = arith.constant 0 : i32
    %dma_start3A_30 = arith.constant 0 : i32
    %dma_start3A_31 = tpu.memref_slice %arg3[%dma_start3A_29, %dma_start3A_30] : memref<100000x1024xf32, #tpu.memory_space<hbm>> -> memref<100000x1024xf32, #tpu.memory_space<hbm>>
    %dma_start3A_32 = tpu.memref_slice %arg9[%dma_start3A_21] : memref<5x!tpu.dma_semaphore, #tpu.memory_space<semaphore_mem>> -> memref<1x!tpu.dma_semaphore, #tpu.memory_space<semaphore_mem>>
    %dma_start3A_33 = tpu.memref_squeeze %dma_start3A_32 : memref<1x!tpu.dma_semaphore, #tpu.memory_space<semaphore_mem>> -> memref<!tpu.dma_semaphore, #tpu.memory_space<semaphore_mem>>
    tpu.enqueue_indirect_dma source(%dma_start3A_31 : memref<100000x1024xf32, #tpu.memory_space<hbm>>) target(%dma_start3A_25 : memref<16x1024xf32, #tpu.memory_space<vmem>>) offsets(%dma_start3A_28 : memref<16xi32, #tpu.memory_space<vmem>>) semaphore(%dma_start3A_33 : memref<!tpu.dma_semaphore, #tpu.memory_space<semaphore_mem>>)
    %scan3A = arith.constant 0 : i32
    %scan3A_34 = arith.constant 0 : i32
    %scan3A_35 = arith.constant 32 : i32
    %scan3A_36 = arith.addi %scan3A_34, %scan3A_35 : i32
    %scan3A_37 = arith.constant 1 : i32
    %scan3A_38 = scf.for %scan3A_133 = %scan3A_34 to %scan3A_36 step %scan3A_37 iter_args(%scan3A_134 = %scan3A) -> (i32)  : i32 {
      %rem3A_135 = arith.constant 5 : i32
      %rem3A_136 = arith.remsi %scan3A_133, %rem3A_135 : i32
      %add3A_137 = arith.constant 2 : i32
      %add3A_138 = arith.addi %scan3A_133, %add3A_137 : i32
      %rem3A_139 = arith.constant 5 : i32
      %rem3A_140 = arith.remsi %add3A_138, %rem3A_139 : i32
      %ge3A = arith.constant 3 : i32
      %ge3A_141 = arith.cmpi sge, %scan3A_133, %ge3A : i32
      %add3A_142 = arith.constant 2 : i32
      %add3A_143 = arith.addi %scan3A_133, %add3A_142 : i32
      %lt3A = arith.constant 32 : i32
      %lt3A_144 = arith.cmpi slt, %add3A_143, %lt3A : i32
      %and3A = arith.andi %ge3A_141, %lt3A_144 : i1
      %convert_element_type3A = arith.extui %and3A : i1 to i32
      %cond3A = arith.constant 0 : i32
      %cond3A_145 = arith.cmpi ne, %convert_element_type3A, %cond3A : i32
      scf.if %cond3A_145 {
        %add3A_425 = arith.constant 2 : i32
        %add3A_426 = arith.addi %scan3A_133, %add3A_425 : i32
        %sub3A_427 = arith.constant 5 : i32
        %sub3A_428 = arith.subi %add3A_426, %sub3A_427 : i32
        %mul3A_429 = arith.constant 16 : i32
        %mul3A_430 = arith.muli %sub3A_428, %mul3A_429 : i32
        %add3A_431 = arith.addi %mul3A_2, %mul3A_430 : i32
        %dma_wait3A_432 = arith.constant 0 : i32
        %dma_wait3A_433 = arith.constant 0 : i32
        %dma_wait3A_434 = tpu.memref_slice %arg7[%rem3A_140, %dma_wait3A_432, %dma_wait3A_433] : memref<5x16x1024xf32, #tpu.memory_space<vmem>> -> memref<1x16x1024xf32, #tpu.memory_space<vmem>>
        %dma_wait3A_435 = tpu.memref_squeeze %dma_wait3A_434 : memref<1x16x1024xf32, #tpu.memory_space<vmem>> -> memref<16x1024xf32, #tpu.memory_space<vmem>>
        %dma_wait3A_436 = arith.constant 0 : i32
        %dma_wait3A_437 = tpu.memref_slice %arg5[%add3A_431, %dma_wait3A_436] : memref<16384x1024xf32, #tpu.memory_space<hbm>> -> memref<16x1024xf32, #tpu.memory_space<hbm>>
        %dma_wait3A_438 = tpu.memref_slice %arg10[%rem3A_140] : memref<5x!tpu.dma_semaphore, #tpu.memory_space<semaphore_mem>> -> memref<1x!tpu.dma_semaphore, #tpu.memory_space<semaphore_mem>>
        %dma_wait3A_439 = tpu.memref_squeeze %dma_wait3A_438 : memref<1x!tpu.dma_semaphore, #tpu.memory_space<semaphore_mem>> -> memref<!tpu.dma_semaphore, #tpu.memory_space<semaphore_mem>>
        %dma_wait3A_440 = arith.constant 0 : i32
        %dma_wait3A_441 = tpu.memref_slice %arg5[%add3A_431, %dma_wait3A_440] : memref<16384x1024xf32, #tpu.memory_space<hbm>> -> memref<16x1024xf32, #tpu.memory_space<hbm>>
        %dma_wait3A_442 = arith.constant 0 : i32
        %dma_wait3A_443 = arith.constant 0 : i32
        %dma_wait3A_444 = tpu.memref_slice %arg7[%rem3A_140, %dma_wait3A_442, %dma_wait3A_443] : memref<5x16x1024xf32, #tpu.memory_space<vmem>> -> memref<1x16x1024xf32, #tpu.memory_space<vmem>>
        %dma_wait3A_445 = tpu.memref_squeeze %dma_wait3A_444 : memref<1x16x1024xf32, #tpu.memory_space<vmem>> -> memref<16x1024xf32, #tpu.memory_space<vmem>>
        tpu.wait_dma2 semaphore(%dma_wait3A_439 : memref<!tpu.dma_semaphore, #tpu.memory_space<semaphore_mem>>) src(%dma_wait3A_445 : memref<16x1024xf32, #tpu.memory_space<vmem>>) dst(%dma_wait3A_441 : memref<16x1024xf32, #tpu.memory_space<hbm>>)
      } else {
      }
      %add3A_146 = arith.constant 2 : i32
      %add3A_147 = arith.addi %scan3A_133, %add3A_146 : i32
      %lt3A_148 = arith.constant 32 : i32
      %lt3A_149 = arith.cmpi slt, %add3A_147, %lt3A_148 : i32
      %convert_element_type3A_150 = arith.extui %lt3A_149 : i1 to i32
      %cond3A_151 = arith.constant 0 : i32
      %cond3A_152 = arith.cmpi ne, %convert_element_type3A_150, %cond3A_151 : i32
      scf.if %cond3A_152 {
        %add3A_425 = arith.constant 2 : i32
        %add3A_426 = arith.addi %scan3A_133, %add3A_425 : i32
        %dma_start3A_427 = arith.constant 0 : i32
        %dma_start3A_428 = arith.constant 0 : i32
        %dma_start3A_429 = tpu.memref_slice %arg7[%rem3A_140, %dma_start3A_427, %dma_start3A_428] : memref<5x16x1024xf32, #tpu.memory_space<vmem>> -> memref<1x16x1024xf32, #tpu.memory_space<vmem>>
        %dma_start3A_430 = tpu.memref_squeeze %dma_start3A_429 : memref<1x16x1024xf32, #tpu.memory_space<vmem>> -> memref<16x1024xf32, #tpu.memory_space<vmem>>
        %dma_start3A_431 = arith.constant 0 : i32
        %dma_start3A_432 = tpu.memref_slice %arg6[%add3A_426, %dma_start3A_431] : memref<32x16xi32, #tpu.memory_space<vmem>> -> memref<1x16xi32, #tpu.memory_space<vmem>>
        %dma_start3A_433 = tpu.memref_squeeze %dma_start3A_432 : memref<1x16xi32, #tpu.memory_space<vmem>> -> memref<16xi32, #tpu.memory_space<vmem>>
        %dma_start3A_434 = arith.constant 0 : i32
        %dma_start3A_435 = arith.constant 0 : i32
        %dma_start3A_436 = tpu.memref_slice %arg3[%dma_start3A_434, %dma_start3A_435] : memref<100000x1024xf32, #tpu.memory_space<hbm>> -> memref<100000x1024xf32, #tpu.memory_space<hbm>>
        %dma_start3A_437 = tpu.memref_slice %arg9[%rem3A_140] : memref<5x!tpu.dma_semaphore, #tpu.memory_space<semaphore_mem>> -> memref<1x!tpu.dma_semaphore, #tpu.memory_space<semaphore_mem>>
        %dma_start3A_438 = tpu.memref_squeeze %dma_start3A_437 : memref<1x!tpu.dma_semaphore, #tpu.memory_space<semaphore_mem>> -> memref<!tpu.dma_semaphore, #tpu.memory_space<semaphore_mem>>
        tpu.enqueue_indirect_dma source(%dma_start3A_436 : memref<100000x1024xf32, #tpu.memory_space<hbm>>) target(%dma_start3A_430 : memref<16x1024xf32, #tpu.memory_space<vmem>>) offsets(%dma_start3A_433 : memref<16xi32, #tpu.memory_space<vmem>>) semaphore(%dma_start3A_438 : memref<!tpu.dma_semaphore, #tpu.memory_space<semaphore_mem>>)
      } else {
      }
      %dma_wait3A_153 = arith.constant 0 : i32
      %dma_wait3A_154 = arith.constant 0 : i32
      %dma_wait3A_155 = tpu.memref_slice %arg7[%rem3A_136, %dma_wait3A_153, %dma_wait3A_154] : memref<5x16x1024xf32, #tpu.memory_space<vmem>> -> memref<1x16x1024xf32, #tpu.memory_space<vmem>>
      %dma_wait3A_156 = tpu.memref_squeeze %dma_wait3A_155 : memref<1x16x1024xf32, #tpu.memory_space<vmem>> -> memref<16x1024xf32, #tpu.memory_space<vmem>>
      %dma_wait3A_157 = arith.constant 0 : i32
      %dma_wait3A_158 = tpu.memref_slice %arg6[%scan3A_133, %dma_wait3A_157] : memref<32x16xi32, #tpu.memory_space<vmem>> -> memref<1x16xi32, #tpu.memory_space<vmem>>
      %dma_wait3A_159 = tpu.memref_squeeze %dma_wait3A_158 : memref<1x16xi32, #tpu.memory_space<vmem>> -> memref<16xi32, #tpu.memory_space<vmem>>
      %dma_wait3A_160 = arith.constant 0 : i32
      %dma_wait3A_161 = arith.constant 0 : i32
      %dma_wait3A_162 = tpu.memref_slice %arg3[%dma_wait3A_160, %dma_wait3A_161] : memref<100000x1024xf32, #tpu.memory_space<hbm>> -> memref<100000x1024xf32, #tpu.memory_space<hbm>>
      %dma_wait3A_163 = tpu.memref_slice %arg9[%rem3A_136] : memref<5x!tpu.dma_semaphore, #tpu.memory_space<semaphore_mem>> -> memref<1x!tpu.dma_semaphore, #tpu.memory_space<semaphore_mem>>
      %dma_wait3A_164 = tpu.memref_squeeze %dma_wait3A_163 : memref<1x!tpu.dma_semaphore, #tpu.memory_space<semaphore_mem>> -> memref<!tpu.dma_semaphore, #tpu.memory_space<semaphore_mem>>
      tpu.wait_indirect_dma semaphore(%dma_wait3A_164 : memref<!tpu.dma_semaphore, #tpu.memory_space<semaphore_mem>>) src(%dma_wait3A_162 : memref<100000x1024xf32, #tpu.memory_space<hbm>>) dst(%dma_wait3A_156 : memref<16x1024xf32, #tpu.memory_space<vmem>>)
      %broadcast_in_dim3A = arith.constant 0.000000e+00 : f32
      %broadcast_in_dim3A_165 = vector.broadcast %broadcast_in_dim3A : f32 to vector<16xf32>
      %scan3A_166 = arith.constant 0 : i32
      %scan3A_167 = arith.constant 16 : i32
      %scan3A_168 = arith.addi %scan3A_166, %scan3A_167 : i32
      %scan3A_169 = arith.constant 1 : i32
      %scan3A_170 = scf.for %scan3A_425 = %scan3A_166 to %scan3A_168 step %scan3A_169 iter_args(%scan3A_426 = %broadcast_in_dim3A_165) -> (vector<16xf32>)  : i32 {
        %broadcast_in_dim3A_427 = arith.constant 0.000000e+00 : f32
        %broadcast_in_dim3A_428 = vector.broadcast %broadcast_in_dim3A_427 : f32 to vector<16xf32>
        %broadcast_in_dim3A_429 = arith.constant 0.000000e+00 : f32
        %broadcast_in_dim3A_430 = vector.broadcast %broadcast_in_dim3A_429 : f32 to vector<16xf32>
        %broadcast_in_dim3A_431 = arith.constant 0.000000e+00 : f32
        %broadcast_in_dim3A_432 = vector.broadcast %broadcast_in_dim3A_431 : f32 to vector<16xf32>
        %broadcast_in_dim3A_433 = arith.constant 0.000000e+00 : f32
        %broadcast_in_dim3A_434 = vector.broadcast %broadcast_in_dim3A_433 : f32 to vector<16xf32>
        %get3A = arith.index_cast %rem3A_136 : i32 to index
        %get3A_435 = arith.index_cast %scan3A_425 : i32 to index
        %get3A_436 = arith.constant 0 : index
        %get3A_437 = tpu.vector_load %arg7[%get3A, %get3A_435, %get3A_436] {strides = array<i32>} : memref<5x16x1024xf32, #tpu.memory_space<vmem>>, vector<1x1x16xf32>,
        %get3A_438 = vector.shape_cast %get3A_437 : vector<1x1x16xf32> to vector<16xf32>
        %mul3A_439 = arith.mulf %get3A_438, %get3A_438 : vector<16xf32>
        %add3A_440 = arith.addf %broadcast_in_dim3A_428, %mul3A_439 : vector<16xf32>
        %get3A_441 = arith.index_cast %rem3A_136 : i32 to index
        %get3A_442 = arith.index_cast %scan3A_425 : i32 to index
        %get3A_443 = arith.constant 16 : index
        %get3A_444 = tpu.vector_load %arg7[%get3A_441, %get3A_442, %get3A_443] {strides = array<i32>} : memref<5x16x1024xf32, #tpu.memory_space<vmem>>, vector<1x1x16xf32>,
        %get3A_445 = vector.shape_cast %get3A_444 : vector<1x1x16xf32> to vector<16xf32>
        %mul3A_446 = arith.mulf %get3A_445, %get3A_445 : vector<16xf32>
        %add3A_447 = arith.addf %broadcast_in_dim3A_430, %mul3A_446 : vector<16xf32>
        %get3A_448 = arith.index_cast %rem3A_136 : i32 to index
        %get3A_449 = arith.index_cast %scan3A_425 : i32 to index
        %get3A_450 = arith.constant 32 : index
        %get3A_451 = tpu.vector_load %arg7[%get3A_448, %get3A_449, %get3A_450] {strides = array<i32>} : memref<5x16x1024xf32, #tpu.memory_space<vmem>>, vector<1x1x16xf32>,
        %get3A_452 = vector.shape_cast %get3A_451 : vector<1x1x16xf32> to vector<16xf32>
        %mul3A_453 = arith.mulf %get3A_452, %get3A_452 : vector<16xf32>
        %add3A_454 = arith.addf %broadcast_in_dim3A_432, %mul3A_453 : vector<16xf32>
        %get3A_455 = arith.index_cast %rem3A_136 : i32 to index
        %get3A_456 = arith.index_cast %scan3A_425 : i32 to index
        %get3A_457 = arith.constant 48 : index
        %get3A_458 = tpu.vector_load %arg7[%get3A_455, %get3A_456, %get3A_457] {strides = array<i32>} : memref<5x16x1024xf32, #tpu.memory_space<vmem>>, vector<1x1x16xf32>,
        %get3A_459 = vector.shape_cast %get3A_458 : vector<1x1x16xf32> to vector<16xf32>
        %mul3A_460 = arith.mulf %get3A_459, %get3A_459 : vector<16xf32>
        %add3A_461 = arith.addf %broadcast_in_dim3A_434, %mul3A_460 : vector<16xf32>
        %get3A_462 = arith.index_cast %rem3A_136 : i32 to index
        %get3A_463 = arith.index_cast %scan3A_425 : i32 to index
        %get3A_464 = arith.constant 64 : index
        %get3A_465 = tpu.vector_load %arg7[%get3A_462, %get3A_463, %get3A_464] {strides = array<i32>} : memref<5x16x1024xf32, #tpu.memory_space<vmem>>, vector<1x1x16xf32>,
        %get3A_466 = vector.shape_cast %get3A_465 : vector<1x1x16xf32> to vector<16xf32>
        %mul3A_467 = arith.mulf %get3A_466, %get3A_466 : vector<16xf32>
        %add3A_468 = arith.addf %add3A_440, %mul3A_467 : vector<16xf32>
        %get3A_469 = arith.index_cast %rem3A_136 : i32 to index
        %get3A_470 = arith.index_cast %scan3A_425 : i32 to index
        %get3A_471 = arith.constant 80 : index
        %get3A_472 = tpu.vector_load %arg7[%get3A_469, %get3A_470, %get3A_471] {strides = array<i32>} : memref<5x16x1024xf32, #tpu.memory_space<vmem>>, vector<1x1x16xf32>,
        %get3A_473 = vector.shape_cast %get3A_472 : vector<1x1x16xf32> to vector<16xf32>
        %mul3A_474 = arith.mulf %get3A_473, %get3A_473 : vector<16xf32>
        %add3A_475 = arith.addf %add3A_447, %mul3A_474 : vector<16xf32>
        %get3A_476 = arith.index_cast %rem3A_136 : i32 to index
        %get3A_477 = arith.index_cast %scan3A_425 : i32 to index
        %get3A_478 = arith.constant 96 : index
        %get3A_479 = tpu.vector_load %arg7[%get3A_476, %get3A_477, %get3A_478] {strides = array<i32>} : memref<5x16x1024xf32, #tpu.memory_space<vmem>>, vector<1x1x16xf32>,
        %get3A_480 = vector.shape_cast %get3A_479 : vector<1x1x16xf32> to vector<16xf32>
        %mul3A_481 = arith.mulf %get3A_480, %get3A_480 : vector<16xf32>
        %add3A_482 = arith.addf %add3A_454, %mul3A_481 : vector<16xf32>
        %get3A_483 = arith.index_cast %rem3A_136 : i32 to index
        %get3A_484 = arith.index_cast %scan3A_425 : i32 to index
        %get3A_485 = arith.constant 112 : index
        %get3A_486 = tpu.vector_load %arg7[%get3A_483, %get3A_484, %get3A_485] {strides = array<i32>} : memref<5x16x1024xf32, #tpu.memory_space<vmem>>, vector<1x1x16xf32>,
        %get3A_487 = vector.shape_cast %get3A_486 : vector<1x1x16xf32> to vector<16xf32>
        %mul3A_488 = arith.mulf %get3A_487, %get3A_487 : vector<16xf32>
        %add3A_489 = arith.addf %add3A_461, %mul3A_488 : vector<16xf32>
        %get3A_490 = arith.index_cast %rem3A_136 : i32 to index
        %get3A_491 = arith.index_cast %scan3A_425 : i32 to index
        %get3A_492 = arith.constant 128 : index
        %get3A_493 = tpu.vector_load %arg7[%get3A_490, %get3A_491, %get3A_492] {strides = array<i32>} : memref<5x16x1024xf32, #tpu.memory_space<vmem>>, vector<1x1x16xf32>,
        %get3A_494 = vector.shape_cast %get3A_493 : vector<1x1x16xf32> to vector<16xf32>
        %mul3A_495 = arith.mulf %get3A_494, %get3A_494 : vector<16xf32>
        %add3A_496 = arith.addf %add3A_468, %mul3A_495 : vector<16xf32>
        %get3A_497 = arith.index_cast %rem3A_136 : i32 to index
        %get3A_498 = arith.index_cast %scan3A_425 : i32 to index
        %get3A_499 = arith.constant 144 : index
        %get3A_500 = tpu.vector_load %arg7[%get3A_497, %get3A_498, %get3A_499] {strides = array<i32>} : memref<5x16x1024xf32, #tpu.memory_space<vmem>>, vector<1x1x16xf32>,
        %get3A_501 = vector.shape_cast %get3A_500 : vector<1x1x16xf32> to vector<16xf32>
        %mul3A_502 = arith.mulf %get3A_501, %get3A_501 : vector<16xf32>
        %add3A_503 = arith.addf %add3A_475, %mul3A_502 : vector<16xf32>
        %get3A_504 = arith.index_cast %rem3A_136 : i32 to index
        %get3A_505 = arith.index_cast %scan3A_425 : i32 to index
        %get3A_506 = arith.constant 160 : index
        %get3A_507 = tpu.vector_load %arg7[%get3A_504, %get3A_505, %get3A_506] {strides = array<i32>} : memref<5x16x1024xf32, #tpu.memory_space<vmem>>, vector<1x1x16xf32>,
        %get3A_508 = vector.shape_cast %get3A_507 : vector<1x1x16xf32> to vector<16xf32>
        %mul3A_509 = arith.mulf %get3A_508, %get3A_508 : vector<16xf32>
        %add3A_510 = arith.addf %add3A_482, %mul3A_509 : vector<16xf32>
        %get3A_511 = arith.index_cast %rem3A_136 : i32 to index
        %get3A_512 = arith.index_cast %scan3A_425 : i32 to index
        %get3A_513 = arith.constant 176 : index
        %get3A_514 = tpu.vector_load %arg7[%get3A_511, %get3A_512, %get3A_513] {strides = array<i32>} : memref<5x16x1024xf32, #tpu.memory_space<vmem>>, vector<1x1x16xf32>,
        %get3A_515 = vector.shape_cast %get3A_514 : vector<1x1x16xf32> to vector<16xf32>
        %mul3A_516 = arith.mulf %get3A_515, %get3A_515 : vector<16xf32>
        %add3A_517 = arith.addf %add3A_489, %mul3A_516 : vector<16xf32>
        %get3A_518 = arith.index_cast %rem3A_136 : i32 to index
        %get3A_519 = arith.index_cast %scan3A_425 : i32 to index
        %get3A_520 = arith.constant 192 : index
        %get3A_521 = tpu.vector_load %arg7[%get3A_518, %get3A_519, %get3A_520] {strides = array<i32>} : memref<5x16x1024xf32, #tpu.memory_space<vmem>>, vector<1x1x16xf32>,
        %get3A_522 = vector.shape_cast %get3A_521 : vector<1x1x16xf32> to vector<16xf32>
        %mul3A_523 = arith.mulf %get3A_522, %get3A_522 : vector<16xf32>
        %add3A_524 = arith.addf %add3A_496, %mul3A_523 : vector<16xf32>
        %get3A_525 = arith.index_cast %rem3A_136 : i32 to index
        %get3A_526 = arith.index_cast %scan3A_425 : i32 to index
        %get3A_527 = arith.constant 208 : index
        %get3A_528 = tpu.vector_load %arg7[%get3A_525, %get3A_526, %get3A_527] {strides = array<i32>} : memref<5x16x1024xf32, #tpu.memory_space<vmem>>, vector<1x1x16xf32>,
        %get3A_529 = vector.shape_cast %get3A_528 : vector<1x1x16xf32> to vector<16xf32>
        %mul3A_530 = arith.mulf %get3A_529, %get3A_529 : vector<16xf32>
        %add3A_531 = arith.addf %add3A_503, %mul3A_530 : vector<16xf32>
        %get3A_532 = arith.index_cast %rem3A_136 : i32 to index
        %get3A_533 = arith.index_cast %scan3A_425 : i32 to index
        %get3A_534 = arith.constant 224 : index
        %get3A_535 = tpu.vector_load %arg7[%get3A_532, %get3A_533, %get3A_534] {strides = array<i32>} : memref<5x16x1024xf32, #tpu.memory_space<vmem>>, vector<1x1x16xf32>,
        %get3A_536 = vector.shape_cast %get3A_535 : vector<1x1x16xf32> to vector<16xf32>
        %mul3A_537 = arith.mulf %get3A_536, %get3A_536 : vector<16xf32>
        %add3A_538 = arith.addf %add3A_510, %mul3A_537 : vector<16xf32>
        %get3A_539 = arith.index_cast %rem3A_136 : i32 to index
        %get3A_540 = arith.index_cast %scan3A_425 : i32 to index
        %get3A_541 = arith.constant 240 : index
        %get3A_542 = tpu.vector_load %arg7[%get3A_539, %get3A_540, %get3A_541] {strides = array<i32>} : memref<5x16x1024xf32, #tpu.memory_space<vmem>>, vector<1x1x16xf32>,
        %get3A_543 = vector.shape_cast %get3A_542 : vector<1x1x16xf32> to vector<16xf32>
        %mul3A_544 = arith.mulf %get3A_543, %get3A_543 : vector<16xf32>
        %add3A_545 = arith.addf %add3A_517, %mul3A_544 : vector<16xf32>
        %get3A_546 = arith.index_cast %rem3A_136 : i32 to index
        %get3A_547 = arith.index_cast %scan3A_425 : i32 to index
        %get3A_548 = arith.constant 256 : index
        %get3A_549 = tpu.vector_load %arg7[%get3A_546, %get3A_547, %get3A_548] {strides = array<i32>} : memref<5x16x1024xf32, #tpu.memory_space<vmem>>, vector<1x1x16xf32>,
        %get3A_550 = vector.shape_cast %get3A_549 : vector<1x1x16xf32> to vector<16xf32>
        %mul3A_551 = arith.mulf %get3A_550, %get3A_550 : vector<16xf32>
        %add3A_552 = arith.addf %add3A_524, %mul3A_551 : vector<16xf32>
        %get3A_553 = arith.index_cast %rem3A_136 : i32 to index
        %get3A_554 = arith.index_cast %scan3A_425 : i32 to index
        %get3A_555 = arith.constant 272 : index
        %get3A_556 = tpu.vector_load %arg7[%get3A_553, %get3A_554, %get3A_555] {strides = array<i32>} : memref<5x16x1024xf32, #tpu.memory_space<vmem>>, vector<1x1x16xf32>,
        %get3A_557 = vector.shape_cast %get3A_556 : vector<1x1x16xf32> to vector<16xf32>
        %mul3A_558 = arith.mulf %get3A_557, %get3A_557 : vector<16xf32>
        %add3A_559 = arith.addf %add3A_531, %mul3A_558 : vector<16xf32>
        %get3A_560 = arith.index_cast %rem3A_136 : i32 to index
        %get3A_561 = arith.index_cast %scan3A_425 : i32 to index
        %get3A_562 = arith.constant 288 : index
        %get3A_563 = tpu.vector_load %arg7[%get3A_560, %get3A_561, %get3A_562] {strides = array<i32>} : memref<5x16x1024xf32, #tpu.memory_space<vmem>>, vector<1x1x16xf32>,
        %get3A_564 = vector.shape_cast %get3A_563 : vector<1x1x16xf32> to vector<16xf32>
        %mul3A_565 = arith.mulf %get3A_564, %get3A_564 : vector<16xf32>
        %add3A_566 = arith.addf %add3A_538, %mul3A_565 : vector<16xf32>
        %get3A_567 = arith.index_cast %rem3A_136 : i32 to index
        %get3A_568 = arith.index_cast %scan3A_425 : i32 to index
        %get3A_569 = arith.constant 304 : index
        %get3A_570 = tpu.vector_load %arg7[%get3A_567, %get3A_568, %get3A_569] {strides = array<i32>} : memref<5x16x1024xf32, #tpu.memory_space<vmem>>, vector<1x1x16xf32>,
        %get3A_571 = vector.shape_cast %get3A_570 : vector<1x1x16xf32> to vector<16xf32>
        %mul3A_572 = arith.mulf %get3A_571, %get3A_571 : vector<16xf32>
        %add3A_573 = arith.addf %add3A_545, %mul3A_572 : vector<16xf32>
        %get3A_574 = arith.index_cast %rem3A_136 : i32 to index
        %get3A_575 = arith.index_cast %scan3A_425 : i32 to index
        %get3A_576 = arith.constant 320 : index
        %get3A_577 = tpu.vector_load %arg7[%get3A_574, %get3A_575, %get3A_576] {strides = array<i32>} : memref<5x16x1024xf32, #tpu.memory_space<vmem>>, vector<1x1x16xf32>,
        %get3A_578 = vector.shape_cast %get3A_577 : vector<1x1x16xf32> to vector<16xf32>
        %mul3A_579 = arith.mulf %get3A_578, %get3A_578 : vector<16xf32>
        %add3A_580 = arith.addf %add3A_552, %mul3A_579 : vector<16xf32>
        %get3A_581 = arith.index_cast %rem3A_136 : i32 to index
        %get3A_582 = arith.index_cast %scan3A_425 : i32 to index
        %get3A_583 = arith.constant 336 : index
        %get3A_584 = tpu.vector_load %arg7[%get3A_581, %get3A_582, %get3A_583] {strides = array<i32>} : memref<5x16x1024xf32, #tpu.memory_space<vmem>>, vector<1x1x16xf32>,
        %get3A_585 = vector.shape_cast %get3A_584 : vector<1x1x16xf32> to vector<16xf32>
        %mul3A_586 = arith.mulf %get3A_585, %get3A_585 : vector<16xf32>
        %add3A_587 = arith.addf %add3A_559, %mul3A_586 : vector<16xf32>
        %get3A_588 = arith.index_cast %rem3A_136 : i32 to index
        %get3A_589 = arith.index_cast %scan3A_425 : i32 to index
        %get3A_590 = arith.constant 352 : index
        %get3A_591 = tpu.vector_load %arg7[%get3A_588, %get3A_589, %get3A_590] {strides = array<i32>} : memref<5x16x1024xf32, #tpu.memory_space<vmem>>, vector<1x1x16xf32>,
        %get3A_592 = vector.shape_cast %get3A_591 : vector<1x1x16xf32> to vector<16xf32>
        %mul3A_593 = arith.mulf %get3A_592, %get3A_592 : vector<16xf32>
        %add3A_594 = arith.addf %add3A_566, %mul3A_593 : vector<16xf32>
        %get3A_595 = arith.index_cast %rem3A_136 : i32 to index
        %get3A_596 = arith.index_cast %scan3A_425 : i32 to index
        %get3A_597 = arith.constant 368 : index
        %get3A_598 = tpu.vector_load %arg7[%get3A_595, %get3A_596, %get3A_597] {strides = array<i32>} : memref<5x16x1024xf32, #tpu.memory_space<vmem>>, vector<1x1x16xf32>,
        %get3A_599 = vector.shape_cast %get3A_598 : vector<1x1x16xf32> to vector<16xf32>
        %mul3A_600 = arith.mulf %get3A_599, %get3A_599 : vector<16xf32>
        %add3A_601 = arith.addf %add3A_573, %mul3A_600 : vector<16xf32>
        %get3A_602 = arith.index_cast %rem3A_136 : i32 to index
        %get3A_603 = arith.index_cast %scan3A_425 : i32 to index
        %get3A_604 = arith.constant 384 : index
        %get3A_605 = tpu.vector_load %arg7[%get3A_602, %get3A_603, %get3A_604] {strides = array<i32>} : memref<5x16x1024xf32, #tpu.memory_space<vmem>>, vector<1x1x16xf32>,
        %get3A_606 = vector.shape_cast %get3A_605 : vector<1x1x16xf32> to vector<16xf32>
        %mul3A_607 = arith.mulf %get3A_606, %get3A_606 : vector<16xf32>
        %add3A_608 = arith.addf %add3A_580, %mul3A_607 : vector<16xf32>
        %get3A_609 = arith.index_cast %rem3A_136 : i32 to index
        %get3A_610 = arith.index_cast %scan3A_425 : i32 to index
        %get3A_611 = arith.constant 400 : index
        %get3A_612 = tpu.vector_load %arg7[%get3A_609, %get3A_610, %get3A_611] {strides = array<i32>} : memref<5x16x1024xf32, #tpu.memory_space<vmem>>, vector<1x1x16xf32>,
        %get3A_613 = vector.shape_cast %get3A_612 : vector<1x1x16xf32> to vector<16xf32>
        %mul3A_614 = arith.mulf %get3A_613, %get3A_613 : vector<16xf32>
        %add3A_615 = arith.addf %add3A_587, %mul3A_614 : vector<16xf32>
        %get3A_616 = arith.index_cast %rem3A_136 : i32 to index
        %get3A_617 = arith.index_cast %scan3A_425 : i32 to index
        %get3A_618 = arith.constant 416 : index
        %get3A_619 = tpu.vector_load %arg7[%get3A_616, %get3A_617, %get3A_618] {strides = array<i32>} : memref<5x16x1024xf32, #tpu.memory_space<vmem>>, vector<1x1x16xf32>,
        %get3A_620 = vector.shape_cast %get3A_619 : vector<1x1x16xf32> to vector<16xf32>
        %mul3A_621 = arith.mulf %get3A_620, %get3A_620 : vector<16xf32>
        %add3A_622 = arith.addf %add3A_594, %mul3A_621 : vector<16xf32>
        %get3A_623 = arith.index_cast %rem3A_136 : i32 to index
        %get3A_624 = arith.index_cast %scan3A_425 : i32 to index
        %get3A_625 = arith.constant 432 : index
        %get3A_626 = tpu.vector_load %arg7[%get3A_623, %get3A_624, %get3A_625] {strides = array<i32>} : memref<5x16x1024xf32, #tpu.memory_space<vmem>>, vector<1x1x16xf32>,
        %get3A_627 = vector.shape_cast %get3A_626 : vector<1x1x16xf32> to vector<16xf32>
        %mul3A_628 = arith.mulf %get3A_627, %get3A_627 : vector<16xf32>
        %add3A_629 = arith.addf %add3A_601, %mul3A_628 : vector<16xf32>
        %get3A_630 = arith.index_cast %rem3A_136 : i32 to index
        %get3A_631 = arith.index_cast %scan3A_425 : i32 to index
        %get3A_632 = arith.constant 448 : index
        %get3A_633 = tpu.vector_load %arg7[%get3A_630, %get3A_631, %get3A_632] {strides = array<i32>} : memref<5x16x1024xf32, #tpu.memory_space<vmem>>, vector<1x1x16xf32>,
        %get3A_634 = vector.shape_cast %get3A_633 : vector<1x1x16xf32> to vector<16xf32>
        %mul3A_635 = arith.mulf %get3A_634, %get3A_634 : vector<16xf32>
        %add3A_636 = arith.addf %add3A_608, %mul3A_635 : vector<16xf32>
        %get3A_637 = arith.index_cast %rem3A_136 : i32 to index
        %get3A_638 = arith.index_cast %scan3A_425 : i32 to index
        %get3A_639 = arith.constant 464 : index
        %get3A_640 = tpu.vector_load %arg7[%get3A_637, %get3A_638, %get3A_639] {strides = array<i32>} : memref<5x16x1024xf32, #tpu.memory_space<vmem>>, vector<1x1x16xf32>,
        %get3A_641 = vector.shape_cast %get3A_640 : vector<1x1x16xf32> to vector<16xf32>
        %mul3A_642 = arith.mulf %get3A_641, %get3A_641 : vector<16xf32>
        %add3A_643 = arith.addf %add3A_615, %mul3A_642 : vector<16xf32>
        %get3A_644 = arith.index_cast %rem3A_136 : i32 to index
        %get3A_645 = arith.index_cast %scan3A_425 : i32 to index
        %get3A_646 = arith.constant 480 : index
        %get3A_647 = tpu.vector_load %arg7[%get3A_644, %get3A_645, %get3A_646] {strides = array<i32>} : memref<5x16x1024xf32, #tpu.memory_space<vmem>>, vector<1x1x16xf32>,
        %get3A_648 = vector.shape_cast %get3A_647 : vector<1x1x16xf32> to vector<16xf32>
        %mul3A_649 = arith.mulf %get3A_648, %get3A_648 : vector<16xf32>
        %add3A_650 = arith.addf %add3A_622, %mul3A_649 : vector<16xf32>
        %get3A_651 = arith.index_cast %rem3A_136 : i32 to index
        %get3A_652 = arith.index_cast %scan3A_425 : i32 to index
        %get3A_653 = arith.constant 496 : index
        %get3A_654 = tpu.vector_load %arg7[%get3A_651, %get3A_652, %get3A_653] {strides = array<i32>} : memref<5x16x1024xf32, #tpu.memory_space<vmem>>, vector<1x1x16xf32>,
        %get3A_655 = vector.shape_cast %get3A_654 : vector<1x1x16xf32> to vector<16xf32>
        %mul3A_656 = arith.mulf %get3A_655, %get3A_655 : vector<16xf32>
        %add3A_657 = arith.addf %add3A_629, %mul3A_656 : vector<16xf32>
        %get3A_658 = arith.index_cast %rem3A_136 : i32 to index
        %get3A_659 = arith.index_cast %scan3A_425 : i32 to index
        %get3A_660 = arith.constant 512 : index
        %get3A_661 = tpu.vector_load %arg7[%get3A_658, %get3A_659, %get3A_660] {strides = array<i32>} : memref<5x16x1024xf32, #tpu.memory_space<vmem>>, vector<1x1x16xf32>,
        %get3A_662 = vector.shape_cast %get3A_661 : vector<1x1x16xf32> to vector<16xf32>
        %mul3A_663 = arith.mulf %get3A_662, %get3A_662 : vector<16xf32>
        %add3A_664 = arith.addf %add3A_636, %mul3A_663 : vector<16xf32>
        %get3A_665 = arith.index_cast %rem3A_136 : i32 to index
        %get3A_666 = arith.index_cast %scan3A_425 : i32 to index
        %get3A_667 = arith.constant 528 : index
        %get3A_668 = tpu.vector_load %arg7[%get3A_665, %get3A_666, %get3A_667] {strides = array<i32>} : memref<5x16x1024xf32, #tpu.memory_space<vmem>>, vector<1x1x16xf32>,
        %get3A_669 = vector.shape_cast %get3A_668 : vector<1x1x16xf32> to vector<16xf32>
        %mul3A_670 = arith.mulf %get3A_669, %get3A_669 : vector<16xf32>
        %add3A_671 = arith.addf %add3A_643, %mul3A_670 : vector<16xf32>
        %get3A_672 = arith.index_cast %rem3A_136 : i32 to index
        %get3A_673 = arith.index_cast %scan3A_425 : i32 to index
        %get3A_674 = arith.constant 544 : index
        %get3A_675 = tpu.vector_load %arg7[%get3A_672, %get3A_673, %get3A_674] {strides = array<i32>} : memref<5x16x1024xf32, #tpu.memory_space<vmem>>, vector<1x1x16xf32>,
        %get3A_676 = vector.shape_cast %get3A_675 : vector<1x1x16xf32> to vector<16xf32>
        %mul3A_677 = arith.mulf %get3A_676, %get3A_676 : vector<16xf32>
        %add3A_678 = arith.addf %add3A_650, %mul3A_677 : vector<16xf32>
        %get3A_679 = arith.index_cast %rem3A_136 : i32 to index
        %get3A_680 = arith.index_cast %scan3A_425 : i32 to index
        %get3A_681 = arith.constant 560 : index
        %get3A_682 = tpu.vector_load %arg7[%get3A_679, %get3A_680, %get3A_681] {strides = array<i32>} : memref<5x16x1024xf32, #tpu.memory_space<vmem>>, vector<1x1x16xf32>,
        %get3A_683 = vector.shape_cast %get3A_682 : vector<1x1x16xf32> to vector<16xf32>
        %mul3A_684 = arith.mulf %get3A_683, %get3A_683 : vector<16xf32>
        %add3A_685 = arith.addf %add3A_657, %mul3A_684 : vector<16xf32>
        %get3A_686 = arith.index_cast %rem3A_136 : i32 to index
        %get3A_687 = arith.index_cast %scan3A_425 : i32 to index
        %get3A_688 = arith.constant 576 : index
        %get3A_689 = tpu.vector_load %arg7[%get3A_686, %get3A_687, %get3A_688] {strides = array<i32>} : memref<5x16x1024xf32, #tpu.memory_space<vmem>>, vector<1x1x16xf32>,
        %get3A_690 = vector.shape_cast %get3A_689 : vector<1x1x16xf32> to vector<16xf32>
        %mul3A_691 = arith.mulf %get3A_690, %get3A_690 : vector<16xf32>
        %add3A_692 = arith.addf %add3A_664, %mul3A_691 : vector<16xf32>
        %get3A_693 = arith.index_cast %rem3A_136 : i32 to index
        %get3A_694 = arith.index_cast %scan3A_425 : i32 to index
        %get3A_695 = arith.constant 592 : index
        %get3A_696 = tpu.vector_load %arg7[%get3A_693, %get3A_694, %get3A_695] {strides = array<i32>} : memref<5x16x1024xf32, #tpu.memory_space<vmem>>, vector<1x1x16xf32>,
        %get3A_697 = vector.shape_cast %get3A_696 : vector<1x1x16xf32> to vector<16xf32>
        %mul3A_698 = arith.mulf %get3A_697, %get3A_697 : vector<16xf32>
        %add3A_699 = arith.addf %add3A_671, %mul3A_698 : vector<16xf32>
        %get3A_700 = arith.index_cast %rem3A_136 : i32 to index
        %get3A_701 = arith.index_cast %scan3A_425 : i32 to index
        %get3A_702 = arith.constant 608 : index
        %get3A_703 = tpu.vector_load %arg7[%get3A_700, %get3A_701, %get3A_702] {strides = array<i32>} : memref<5x16x1024xf32, #tpu.memory_space<vmem>>, vector<1x1x16xf32>,
        %get3A_704 = vector.shape_cast %get3A_703 : vector<1x1x16xf32> to vector<16xf32>
        %mul3A_705 = arith.mulf %get3A_704, %get3A_704 : vector<16xf32>
        %add3A_706 = arith.addf %add3A_678, %mul3A_705 : vector<16xf32>
        %get3A_707 = arith.index_cast %rem3A_136 : i32 to index
        %get3A_708 = arith.index_cast %scan3A_425 : i32 to index
        %get3A_709 = arith.constant 624 : index
        %get3A_710 = tpu.vector_load %arg7[%get3A_707, %get3A_708, %get3A_709] {strides = array<i32>} : memref<5x16x1024xf32, #tpu.memory_space<vmem>>, vector<1x1x16xf32>,
        %get3A_711 = vector.shape_cast %get3A_710 : vector<1x1x16xf32> to vector<16xf32>
        %mul3A_712 = arith.mulf %get3A_711, %get3A_711 : vector<16xf32>
        %add3A_713 = arith.addf %add3A_685, %mul3A_712 : vector<16xf32>
        %get3A_714 = arith.index_cast %rem3A_136 : i32 to index
        %get3A_715 = arith.index_cast %scan3A_425 : i32 to index
        %get3A_716 = arith.constant 640 : index
        %get3A_717 = tpu.vector_load %arg7[%get3A_714, %get3A_715, %get3A_716] {strides = array<i32>} : memref<5x16x1024xf32, #tpu.memory_space<vmem>>, vector<1x1x16xf32>,
        %get3A_718 = vector.shape_cast %get3A_717 : vector<1x1x16xf32> to vector<16xf32>
        %mul3A_719 = arith.mulf %get3A_718, %get3A_718 : vector<16xf32>
        %add3A_720 = arith.addf %add3A_692, %mul3A_719 : vector<16xf32>
        %get3A_721 = arith.index_cast %rem3A_136 : i32 to index
        %get3A_722 = arith.index_cast %scan3A_425 : i32 to index
        %get3A_723 = arith.constant 656 : index
        %get3A_724 = tpu.vector_load %arg7[%get3A_721, %get3A_722, %get3A_723] {strides = array<i32>} : memref<5x16x1024xf32, #tpu.memory_space<vmem>>, vector<1x1x16xf32>,
        %get3A_725 = vector.shape_cast %get3A_724 : vector<1x1x16xf32> to vector<16xf32>
        %mul3A_726 = arith.mulf %get3A_725, %get3A_725 : vector<16xf32>
        %add3A_727 = arith.addf %add3A_699, %mul3A_726 : vector<16xf32>
        %get3A_728 = arith.index_cast %rem3A_136 : i32 to index
        %get3A_729 = arith.index_cast %scan3A_425 : i32 to index
        %get3A_730 = arith.constant 672 : index
        %get3A_731 = tpu.vector_load %arg7[%get3A_728, %get3A_729, %get3A_730] {strides = array<i32>} : memref<5x16x1024xf32, #tpu.memory_space<vmem>>, vector<1x1x16xf32>,
        %get3A_732 = vector.shape_cast %get3A_731 : vector<1x1x16xf32> to vector<16xf32>
        %mul3A_733 = arith.mulf %get3A_732, %get3A_732 : vector<16xf32>
        %add3A_734 = arith.addf %add3A_706, %mul3A_733 : vector<16xf32>
        %get3A_735 = arith.index_cast %rem3A_136 : i32 to index
        %get3A_736 = arith.index_cast %scan3A_425 : i32 to index
        %get3A_737 = arith.constant 688 : index
        %get3A_738 = tpu.vector_load %arg7[%get3A_735, %get3A_736, %get3A_737] {strides = array<i32>} : memref<5x16x1024xf32, #tpu.memory_space<vmem>>, vector<1x1x16xf32>,
        %get3A_739 = vector.shape_cast %get3A_738 : vector<1x1x16xf32> to vector<16xf32>
        %mul3A_740 = arith.mulf %get3A_739, %get3A_739 : vector<16xf32>
        %add3A_741 = arith.addf %add3A_713, %mul3A_740 : vector<16xf32>
        %get3A_742 = arith.index_cast %rem3A_136 : i32 to index
        %get3A_743 = arith.index_cast %scan3A_425 : i32 to index
        %get3A_744 = arith.constant 704 : index
        %get3A_745 = tpu.vector_load %arg7[%get3A_742, %get3A_743, %get3A_744] {strides = array<i32>} : memref<5x16x1024xf32, #tpu.memory_space<vmem>>, vector<1x1x16xf32>,
        %get3A_746 = vector.shape_cast %get3A_745 : vector<1x1x16xf32> to vector<16xf32>
        %mul3A_747 = arith.mulf %get3A_746, %get3A_746 : vector<16xf32>
        %add3A_748 = arith.addf %add3A_720, %mul3A_747 : vector<16xf32>
        %get3A_749 = arith.index_cast %rem3A_136 : i32 to index
        %get3A_750 = arith.index_cast %scan3A_425 : i32 to index
        %get3A_751 = arith.constant 720 : index
        %get3A_752 = tpu.vector_load %arg7[%get3A_749, %get3A_750, %get3A_751] {strides = array<i32>} : memref<5x16x1024xf32, #tpu.memory_space<vmem>>, vector<1x1x16xf32>,
        %get3A_753 = vector.shape_cast %get3A_752 : vector<1x1x16xf32> to vector<16xf32>
        %mul3A_754 = arith.mulf %get3A_753, %get3A_753 : vector<16xf32>
        %add3A_755 = arith.addf %add3A_727, %mul3A_754 : vector<16xf32>
        %get3A_756 = arith.index_cast %rem3A_136 : i32 to index
        %get3A_757 = arith.index_cast %scan3A_425 : i32 to index
        %get3A_758 = arith.constant 736 : index
        %get3A_759 = tpu.vector_load %arg7[%get3A_756, %get3A_757, %get3A_758] {strides = array<i32>} : memref<5x16x1024xf32, #tpu.memory_space<vmem>>, vector<1x1x16xf32>,
        %get3A_760 = vector.shape_cast %get3A_759 : vector<1x1x16xf32> to vector<16xf32>
        %mul3A_761 = arith.mulf %get3A_760, %get3A_760 : vector<16xf32>
        %add3A_762 = arith.addf %add3A_734, %mul3A_761 : vector<16xf32>
        %get3A_763 = arith.index_cast %rem3A_136 : i32 to index
        %get3A_764 = arith.index_cast %scan3A_425 : i32 to index
        %get3A_765 = arith.constant 752 : index
        %get3A_766 = tpu.vector_load %arg7[%get3A_763, %get3A_764, %get3A_765] {strides = array<i32>} : memref<5x16x1024xf32, #tpu.memory_space<vmem>>, vector<1x1x16xf32>,
        %get3A_767 = vector.shape_cast %get3A_766 : vector<1x1x16xf32> to vector<16xf32>
        %mul3A_768 = arith.mulf %get3A_767, %get3A_767 : vector<16xf32>
        %add3A_769 = arith.addf %add3A_741, %mul3A_768 : vector<16xf32>
        %get3A_770 = arith.index_cast %rem3A_136 : i32 to index
        %get3A_771 = arith.index_cast %scan3A_425 : i32 to index
        %get3A_772 = arith.constant 768 : index
        %get3A_773 = tpu.vector_load %arg7[%get3A_770, %get3A_771, %get3A_772] {strides = array<i32>} : memref<5x16x1024xf32, #tpu.memory_space<vmem>>, vector<1x1x16xf32>,
        %get3A_774 = vector.shape_cast %get3A_773 : vector<1x1x16xf32> to vector<16xf32>
        %mul3A_775 = arith.mulf %get3A_774, %get3A_774 : vector<16xf32>
        %add3A_776 = arith.addf %add3A_748, %mul3A_775 : vector<16xf32>
        %get3A_777 = arith.index_cast %rem3A_136 : i32 to index
        %get3A_778 = arith.index_cast %scan3A_425 : i32 to index
        %get3A_779 = arith.constant 784 : index
        %get3A_780 = tpu.vector_load %arg7[%get3A_777, %get3A_778, %get3A_779] {strides = array<i32>} : memref<5x16x1024xf32, #tpu.memory_space<vmem>>, vector<1x1x16xf32>,
        %get3A_781 = vector.shape_cast %get3A_780 : vector<1x1x16xf32> to vector<16xf32>
        %mul3A_782 = arith.mulf %get3A_781, %get3A_781 : vector<16xf32>
        %add3A_783 = arith.addf %add3A_755, %mul3A_782 : vector<16xf32>
        %get3A_784 = arith.index_cast %rem3A_136 : i32 to index
        %get3A_785 = arith.index_cast %scan3A_425 : i32 to index
        %get3A_786 = arith.constant 800 : index
        %get3A_787 = tpu.vector_load %arg7[%get3A_784, %get3A_785, %get3A_786] {strides = array<i32>} : memref<5x16x1024xf32, #tpu.memory_space<vmem>>, vector<1x1x16xf32>,
        %get3A_788 = vector.shape_cast %get3A_787 : vector<1x1x16xf32> to vector<16xf32>
        %mul3A_789 = arith.mulf %get3A_788, %get3A_788 : vector<16xf32>
        %add3A_790 = arith.addf %add3A_762, %mul3A_789 : vector<16xf32>
        %get3A_791 = arith.index_cast %rem3A_136 : i32 to index
        %get3A_792 = arith.index_cast %scan3A_425 : i32 to index
        %get3A_793 = arith.constant 816 : index
        %get3A_794 = tpu.vector_load %arg7[%get3A_791, %get3A_792, %get3A_793] {strides = array<i32>} : memref<5x16x1024xf32, #tpu.memory_space<vmem>>, vector<1x1x16xf32>,
        %get3A_795 = vector.shape_cast %get3A_794 : vector<1x1x16xf32> to vector<16xf32>
        %mul3A_796 = arith.mulf %get3A_795, %get3A_795 : vector<16xf32>
        %add3A_797 = arith.addf %add3A_769, %mul3A_796 : vector<16xf32>
        %get3A_798 = arith.index_cast %rem3A_136 : i32 to index
        %get3A_799 = arith.index_cast %scan3A_425 : i32 to index
        %get3A_800 = arith.constant 832 : index
        %get3A_801 = tpu.vector_load %arg7[%get3A_798, %get3A_799, %get3A_800] {strides = array<i32>} : memref<5x16x1024xf32, #tpu.memory_space<vmem>>, vector<1x1x16xf32>,
        %get3A_802 = vector.shape_cast %get3A_801 : vector<1x1x16xf32> to vector<16xf32>
        %mul3A_803 = arith.mulf %get3A_802, %get3A_802 : vector<16xf32>
        %add3A_804 = arith.addf %add3A_776, %mul3A_803 : vector<16xf32>
        %get3A_805 = arith.index_cast %rem3A_136 : i32 to index
        %get3A_806 = arith.index_cast %scan3A_425 : i32 to index
        %get3A_807 = arith.constant 848 : index
        %get3A_808 = tpu.vector_load %arg7[%get3A_805, %get3A_806, %get3A_807] {strides = array<i32>} : memref<5x16x1024xf32, #tpu.memory_space<vmem>>, vector<1x1x16xf32>,
        %get3A_809 = vector.shape_cast %get3A_808 : vector<1x1x16xf32> to vector<16xf32>
        %mul3A_810 = arith.mulf %get3A_809, %get3A_809 : vector<16xf32>
        %add3A_811 = arith.addf %add3A_783, %mul3A_810 : vector<16xf32>
        %get3A_812 = arith.index_cast %rem3A_136 : i32 to index
        %get3A_813 = arith.index_cast %scan3A_425 : i32 to index
        %get3A_814 = arith.constant 864 : index
        %get3A_815 = tpu.vector_load %arg7[%get3A_812, %get3A_813, %get3A_814] {strides = array<i32>} : memref<5x16x1024xf32, #tpu.memory_space<vmem>>, vector<1x1x16xf32>,
        %get3A_816 = vector.shape_cast %get3A_815 : vector<1x1x16xf32> to vector<16xf32>
        %mul3A_817 = arith.mulf %get3A_816, %get3A_816 : vector<16xf32>
        %add3A_818 = arith.addf %add3A_790, %mul3A_817 : vector<16xf32>
        %get3A_819 = arith.index_cast %rem3A_136 : i32 to index
        %get3A_820 = arith.index_cast %scan3A_425 : i32 to index
        %get3A_821 = arith.constant 880 : index
        %get3A_822 = tpu.vector_load %arg7[%get3A_819, %get3A_820, %get3A_821] {strides = array<i32>} : memref<5x16x1024xf32, #tpu.memory_space<vmem>>, vector<1x1x16xf32>,
        %get3A_823 = vector.shape_cast %get3A_822 : vector<1x1x16xf32> to vector<16xf32>
        %mul3A_824 = arith.mulf %get3A_823, %get3A_823 : vector<16xf32>
        %add3A_825 = arith.addf %add3A_797, %mul3A_824 : vector<16xf32>
        %get3A_826 = arith.index_cast %rem3A_136 : i32 to index
        %get3A_827 = arith.index_cast %scan3A_425 : i32 to index
        %get3A_828 = arith.constant 896 : index
        %get3A_829 = tpu.vector_load %arg7[%get3A_826, %get3A_827, %get3A_828] {strides = array<i32>} : memref<5x16x1024xf32, #tpu.memory_space<vmem>>, vector<1x1x16xf32>,
        %get3A_830 = vector.shape_cast %get3A_829 : vector<1x1x16xf32> to vector<16xf32>
        %mul3A_831 = arith.mulf %get3A_830, %get3A_830 : vector<16xf32>
        %add3A_832 = arith.addf %add3A_804, %mul3A_831 : vector<16xf32>
        %get3A_833 = arith.index_cast %rem3A_136 : i32 to index
        %get3A_834 = arith.index_cast %scan3A_425 : i32 to index
        %get3A_835 = arith.constant 912 : index
        %get3A_836 = tpu.vector_load %arg7[%get3A_833, %get3A_834, %get3A_835] {strides = array<i32>} : memref<5x16x1024xf32, #tpu.memory_space<vmem>>, vector<1x1x16xf32>,
        %get3A_837 = vector.shape_cast %get3A_836 : vector<1x1x16xf32> to vector<16xf32>
        %mul3A_838 = arith.mulf %get3A_837, %get3A_837 : vector<16xf32>
        %add3A_839 = arith.addf %add3A_811, %mul3A_838 : vector<16xf32>
        %get3A_840 = arith.index_cast %rem3A_136 : i32 to index
        %get3A_841 = arith.index_cast %scan3A_425 : i32 to index
        %get3A_842 = arith.constant 928 : index
        %get3A_843 = tpu.vector_load %arg7[%get3A_840, %get3A_841, %get3A_842] {strides = array<i32>} : memref<5x16x1024xf32, #tpu.memory_space<vmem>>, vector<1x1x16xf32>,
        %get3A_844 = vector.shape_cast %get3A_843 : vector<1x1x16xf32> to vector<16xf32>
        %mul3A_845 = arith.mulf %get3A_844, %get3A_844 : vector<16xf32>
        %add3A_846 = arith.addf %add3A_818, %mul3A_845 : vector<16xf32>
        %get3A_847 = arith.index_cast %rem3A_136 : i32 to index
        %get3A_848 = arith.index_cast %scan3A_425 : i32 to index
        %get3A_849 = arith.constant 944 : index
        %get3A_850 = tpu.vector_load %arg7[%get3A_847, %get3A_848, %get3A_849] {strides = array<i32>} : memref<5x16x1024xf32, #tpu.memory_space<vmem>>, vector<1x1x16xf32>,
        %get3A_851 = vector.shape_cast %get3A_850 : vector<1x1x16xf32> to vector<16xf32>
        %mul3A_852 = arith.mulf %get3A_851, %get3A_851 : vector<16xf32>
        %add3A_853 = arith.addf %add3A_825, %mul3A_852 : vector<16xf32>
        %get3A_854 = arith.index_cast %rem3A_136 : i32 to index
        %get3A_855 = arith.index_cast %scan3A_425 : i32 to index
        %get3A_856 = arith.constant 960 : index
        %get3A_857 = tpu.vector_load %arg7[%get3A_854, %get3A_855, %get3A_856] {strides = array<i32>} : memref<5x16x1024xf32, #tpu.memory_space<vmem>>, vector<1x1x16xf32>,
        %get3A_858 = vector.shape_cast %get3A_857 : vector<1x1x16xf32> to vector<16xf32>
        %mul3A_859 = arith.mulf %get3A_858, %get3A_858 : vector<16xf32>
        %add3A_860 = arith.addf %add3A_832, %mul3A_859 : vector<16xf32>
        %get3A_861 = arith.index_cast %rem3A_136 : i32 to index
        %get3A_862 = arith.index_cast %scan3A_425 : i32 to index
        %get3A_863 = arith.constant 976 : index
        %get3A_864 = tpu.vector_load %arg7[%get3A_861, %get3A_862, %get3A_863] {strides = array<i32>} : memref<5x16x1024xf32, #tpu.memory_space<vmem>>, vector<1x1x16xf32>,
        %get3A_865 = vector.shape_cast %get3A_864 : vector<1x1x16xf32> to vector<16xf32>
        %mul3A_866 = arith.mulf %get3A_865, %get3A_865 : vector<16xf32>
        %add3A_867 = arith.addf %add3A_839, %mul3A_866 : vector<16xf32>
        %get3A_868 = arith.index_cast %rem3A_136 : i32 to index
        %get3A_869 = arith.index_cast %scan3A_425 : i32 to index
        %get3A_870 = arith.constant 992 : index
        %get3A_871 = tpu.vector_load %arg7[%get3A_868, %get3A_869, %get3A_870] {strides = array<i32>} : memref<5x16x1024xf32, #tpu.memory_space<vmem>>, vector<1x1x16xf32>,
        %get3A_872 = vector.shape_cast %get3A_871 : vector<1x1x16xf32> to vector<16xf32>
        %mul3A_873 = arith.mulf %get3A_872, %get3A_872 : vector<16xf32>
        %add3A_874 = arith.addf %add3A_846, %mul3A_873 : vector<16xf32>
        %get3A_875 = arith.index_cast %rem3A_136 : i32 to index
        %get3A_876 = arith.index_cast %scan3A_425 : i32 to index
        %get3A_877 = arith.constant 1008 : index
        %get3A_878 = tpu.vector_load %arg7[%get3A_875, %get3A_876, %get3A_877] {strides = array<i32>} : memref<5x16x1024xf32, #tpu.memory_space<vmem>>, vector<1x1x16xf32>,
        %get3A_879 = vector.shape_cast %get3A_878 : vector<1x1x16xf32> to vector<16xf32>
        %mul3A_880 = arith.mulf %get3A_879, %get3A_879 : vector<16xf32>
        %add3A_881 = arith.addf %add3A_853, %mul3A_880 : vector<16xf32>
        %add3A_882 = arith.addf %add3A_860, %add3A_867 : vector<16xf32>
        %add3A_883 = arith.addf %add3A_874, %add3A_881 : vector<16xf32>
        %add3A_884 = arith.addf %add3A_882, %add3A_883 : vector<16xf32>
        %xor3A = arith.constant 8 : i32
        %xor3A_885 = vector.broadcast %xor3A : i32 to vector<16xi32>
        %xor3A_886 = arith.xori %iota3A, %xor3A_885 : vector<16xi32>
        %lt3A_887 = arith.constant 0 : i32
        %lt3A_888 = vector.broadcast %lt3A_887 : i32 to vector<16xi32>
        %lt3A_889 = arith.cmpi slt, %xor3A_886, %lt3A_888 : vector<16xi32>
        %add3A_890 = arith.constant 16 : i32
        %add3A_891 = vector.broadcast %add3A_890 : i32 to vector<16xi32>
        %add3A_892 = arith.addi %xor3A_886, %add3A_891 : vector<16xi32>
        %select_n3A_893 = arith.select %lt3A_889, %add3A_892, %xor3A_886 : vector<16xi1>, vector<16xi32>
        %broadcast_in_dim3A_894 = vector.shape_cast %select_n3A_893 : vector<16xi32> to vector<16x1xi32>
        %gather3A_895 = vector.shape_cast %broadcast_in_dim3A_894 : vector<16x1xi32> to vector<16xi32>
        %gather3A_896 = tpu.dynamic_gather %add3A_884[%gather3A_895] in [0] : vector<16xf32>, vector<16xi32> -> vector<16xf32>
        %add3A_897 = arith.addf %add3A_884, %gather3A_896 : vector<16xf32>
        %xor3A_898 = arith.constant 4 : i32
        %xor3A_899 = vector.broadcast %xor3A_898 : i32 to vector<16xi32>
        %xor3A_900 = arith.xori %iota3A, %xor3A_899 : vector<16xi32>
        %lt3A_901 = arith.constant 0 : i32
        %lt3A_902 = vector.broadcast %lt3A_901 : i32 to vector<16xi32>
        %lt3A_903 = arith.cmpi slt, %xor3A_900, %lt3A_902 : vector<16xi32>
        %add3A_904 = arith.constant 16 : i32
        %add3A_905 = vector.broadcast %add3A_904 : i32 to vector<16xi32>
        %add3A_906 = arith.addi %xor3A_900, %add3A_905 : vector<16xi32>
        %select_n3A_907 = arith.select %lt3A_903, %add3A_906, %xor3A_900 : vector<16xi1>, vector<16xi32>
        %broadcast_in_dim3A_908 = vector.shape_cast %select_n3A_907 : vector<16xi32> to vector<16x1xi32>
        %gather3A_909 = vector.shape_cast %broadcast_in_dim3A_908 : vector<16x1xi32> to vector<16xi32>
        %gather3A_910 = tpu.dynamic_gather %add3A_897[%gather3A_909] in [0] : vector<16xf32>, vector<16xi32> -> vector<16xf32>
        %add3A_911 = arith.addf %add3A_897, %gather3A_910 : vector<16xf32>
        %xor3A_912 = arith.constant 2 : i32
        %xor3A_913 = vector.broadcast %xor3A_912 : i32 to vector<16xi32>
        %xor3A_914 = arith.xori %iota3A, %xor3A_913 : vector<16xi32>
        %lt3A_915 = arith.constant 0 : i32
        %lt3A_916 = vector.broadcast %lt3A_915 : i32 to vector<16xi32>
        %lt3A_917 = arith.cmpi slt, %xor3A_914, %lt3A_916 : vector<16xi32>
        %add3A_918 = arith.constant 16 : i32
        %add3A_919 = vector.broadcast %add3A_918 : i32 to vector<16xi32>
        %add3A_920 = arith.addi %xor3A_914, %add3A_919 : vector<16xi32>
        %select_n3A_921 = arith.select %lt3A_917, %add3A_920, %xor3A_914 : vector<16xi1>, vector<16xi32>
        %broadcast_in_dim3A_922 = vector.shape_cast %select_n3A_921 : vector<16xi32> to vector<16x1xi32>
        %gather3A_923 = vector.shape_cast %broadcast_in_dim3A_922 : vector<16x1xi32> to vector<16xi32>
        %gather3A_924 = tpu.dynamic_gather %add3A_911[%gather3A_923] in [0] : vector<16xf32>, vector<16xi32> -> vector<16xf32>
        %add3A_925 = arith.addf %add3A_911, %gather3A_924 : vector<16xf32>
        %xor3A_926 = arith.constant 1 : i32
        %xor3A_927 = vector.broadcast %xor3A_926 : i32 to vector<16xi32>
        %xor3A_928 = arith.xori %iota3A, %xor3A_927 : vector<16xi32>
        %lt3A_929 = arith.constant 0 : i32
        %lt3A_930 = vector.broadcast %lt3A_929 : i32 to vector<16xi32>
        %lt3A_931 = arith.cmpi slt, %xor3A_928, %lt3A_930 : vector<16xi32>
        %add3A_932 = arith.constant 16 : i32
        %add3A_933 = vector.broadcast %add3A_932 : i32 to vector<16xi32>
        %add3A_934 = arith.addi %xor3A_928, %add3A_933 : vector<16xi32>
        %select_n3A_935 = arith.select %lt3A_931, %add3A_934, %xor3A_928 : vector<16xi1>, vector<16xi32>
        %broadcast_in_dim3A_936 = vector.shape_cast %select_n3A_935 : vector<16xi32> to vector<16x1xi32>
        %gather3A_937 = vector.shape_cast %broadcast_in_dim3A_936 : vector<16x1xi32> to vector<16xi32>
        %gather3A_938 = tpu.dynamic_gather %add3A_925[%gather3A_937] in [0] : vector<16xf32>, vector<16xi32> -> vector<16xf32>
        %add3A_939 = arith.addf %add3A_925, %gather3A_938 : vector<16xf32>
        %eq3A = vector.broadcast %scan3A_425 : i32 to vector<16xi32>
        %eq3A_940 = arith.cmpi eq, %iota3A, %eq3A : vector<16xi32>
        %select_n3A_941 = arith.select %eq3A_940, %add3A_939, %scan3A_426 : vector<16xi1>, vector<16xf32>
        scf.yield %select_n3A_941 : vector<16xf32>
      }
      %scan3A_171 = arith.constant 16 : i32
      %add3A_172 = arith.constant 9.99999997E-7 : f32
      %add3A_173 = vector.broadcast %add3A_172 : f32 to vector<16xf32>
      %add3A_174 = arith.addf %scan3A_170, %add3A_173 : vector<16xf32>
      %bitcast_convert_type3A = tpu.bitcast %add3A_174 : vector<16xf32> -> vector<16xi32>
      %shift_right_arithmetic3A = arith.constant 1 : i32
      %shift_right_arithmetic3A_175 = vector.broadcast %shift_right_arithmetic3A : i32 to vector<16xi32>
      %shift_right_arithmetic3A_176 = arith.shrsi %bitcast_convert_type3A, %shift_right_arithmetic3A_175 : vector<16xi32>
      %sub3A = arith.constant 1597463007 : i32
      %sub3A_177 = vector.broadcast %sub3A : i32 to vector<16xi32>
      %sub3A_178 = arith.subi %sub3A_177, %shift_right_arithmetic3A_176 : vector<16xi32>
      %bitcast_convert_type3A_179 = tpu.bitcast %sub3A_178 : vector<16xi32> -> vector<16xf32>
      %mul3A_180 = arith.constant 5.000000e-01 : f32
      %mul3A_181 = vector.broadcast %mul3A_180 : f32 to vector<16xf32>
      %mul3A_182 = arith.mulf %mul3A_181, %add3A_174 : vector<16xf32>
      %mul3A_183 = arith.mulf %mul3A_182, %bitcast_convert_type3A_179 : vector<16xf32>
      %mul3A_184 = arith.mulf %mul3A_183, %bitcast_convert_type3A_179 : vector<16xf32>
      %sub3A_185 = arith.constant 1.500000e+00 : f32
      %sub3A_186 = vector.broadcast %sub3A_185 : f32 to vector<16xf32>
      %sub3A_187 = arith.subf %sub3A_186, %mul3A_184 : vector<16xf32>
      %mul3A_188 = arith.mulf %bitcast_convert_type3A_179, %sub3A_187 : vector<16xf32>
      %mul3A_189 = arith.constant 5.000000e-01 : f32
      %mul3A_190 = vector.broadcast %mul3A_189 : f32 to vector<16xf32>
      %mul3A_191 = arith.mulf %mul3A_190, %add3A_174 : vector<16xf32>
      %mul3A_192 = arith.mulf %mul3A_191, %mul3A_188 : vector<16xf32>
      %mul3A_193 = arith.mulf %mul3A_192, %mul3A_188 : vector<16xf32>
      %sub3A_194 = arith.constant 1.500000e+00 : f32
      %sub3A_195 = vector.broadcast %sub3A_194 : f32 to vector<16xf32>
      %sub3A_196 = arith.subf %sub3A_195, %mul3A_193 : vector<16xf32>
      %mul3A_197 = arith.mulf %mul3A_188, %sub3A_196 : vector<16xf32>
      %mul3A_198 = arith.constant 5.000000e-01 : f32
      %mul3A_199 = vector.broadcast %mul3A_198 : f32 to vector<16xf32>
      %mul3A_200 = arith.mulf %mul3A_199, %add3A_174 : vector<16xf32>
      %mul3A_201 = arith.mulf %mul3A_200, %mul3A_197 : vector<16xf32>
      %mul3A_202 = arith.mulf %mul3A_201, %mul3A_197 : vector<16xf32>
      %sub3A_203 = arith.constant 1.500000e+00 : f32
      %sub3A_204 = vector.broadcast %sub3A_203 : f32 to vector<16xf32>
      %sub3A_205 = arith.subf %sub3A_204, %mul3A_202 : vector<16xf32>
      %mul3A_206 = arith.mulf %mul3A_197, %sub3A_205 : vector<16xf32>
      %mul3A_207 = arith.constant 3.200000e+01 : f32
      %mul3A_208 = vector.broadcast %mul3A_207 : f32 to vector<16xf32>
      %mul3A_209 = arith.mulf %mul3A_206, %mul3A_208 : vector<16xf32>
      %broadcast_in_dim3A_210 = arith.constant 0 : i32
      %broadcast_in_dim3A_211 = vector.broadcast %broadcast_in_dim3A_210 : i32 to vector<16xi32>
      %lt3A_212 = arith.constant 0 : i32
      %lt3A_213 = vector.broadcast %lt3A_212 : i32 to vector<16xi32>
      %lt3A_214 = arith.cmpi slt, %broadcast_in_dim3A_211, %lt3A_213 : vector<16xi32>
      %add3A_215 = arith.constant 16 : i32
      %add3A_216 = vector.broadcast %add3A_215 : i32 to vector<16xi32>
      %add3A_217 = arith.addi %broadcast_in_dim3A_211, %add3A_216 : vector<16xi32>
      %select_n3A = arith.select %lt3A_214, %add3A_217, %broadcast_in_dim3A_211 : vector<16xi1>, vector<16xi32>
      %broadcast_in_dim3A_218 = vector.shape_cast %select_n3A : vector<16xi32> to vector<16x1xi32>
      %gather3A = vector.shape_cast %broadcast_in_dim3A_218 : vector<16x1xi32> to vector<16xi32>
      %gather3A_219 = tpu.dynamic_gather %mul3A_209[%gather3A] in [0] : vector<16xf32>, vector<16xi32> -> vector<16xf32>
      %broadcast_in_dim3A_220 = arith.constant 1 : i32
      %broadcast_in_dim3A_221 = vector.broadcast %broadcast_in_dim3A_220 : i32 to vector<16xi32>
      %lt3A_222 = arith.constant 0 : i32
      %lt3A_223 = vector.broadcast %lt3A_222 : i32 to vector<16xi32>
      %lt3A_224 = arith.cmpi slt, %broadcast_in_dim3A_221, %lt3A_223 : vector<16xi32>
      %add3A_225 = arith.constant 16 : i32
      %add3A_226 = vector.broadcast %add3A_225 : i32 to vector<16xi32>
      %add3A_227 = arith.addi %broadcast_in_dim3A_221, %add3A_226 : vector<16xi32>
      %select_n3A_228 = arith.select %lt3A_224, %add3A_227, %broadcast_in_dim3A_221 : vector<16xi1>, vector<16xi32>
      %broadcast_in_dim3A_229 = vector.shape_cast %select_n3A_228 : vector<16xi32> to vector<16x1xi32>
      %gather3A_230 = vector.shape_cast %broadcast_in_dim3A_229 : vector<16x1xi32> to vector<16xi32>
      %gather3A_231 = tpu.dynamic_gather %mul3A_209[%gather3A_230] in [0] : vector<16xf32>, vector<16xi32> -> vector<16xf32>
      %broadcast_in_dim3A_232 = arith.constant 2 : i32
      %broadcast_in_dim3A_233 = vector.broadcast %broadcast_in_dim3A_232 : i32 to vector<16xi32>
      %lt3A_234 = arith.constant 0 : i32
      %lt3A_235 = vector.broadcast %lt3A_234 : i32 to vector<16xi32>
      %lt3A_236 = arith.cmpi slt, %broadcast_in_dim3A_233, %lt3A_235 : vector<16xi32>
      %add3A_237 = arith.constant 16 : i32
      %add3A_238 = vector.broadcast %add3A_237 : i32 to vector<16xi32>
      %add3A_239 = arith.addi %broadcast_in_dim3A_233, %add3A_238 : vector<16xi32>
      %select_n3A_240 = arith.select %lt3A_236, %add3A_239, %broadcast_in_dim3A_233 : vector<16xi1>, vector<16xi32>
      %broadcast_in_dim3A_241 = vector.shape_cast %select_n3A_240 : vector<16xi32> to vector<16x1xi32>
      %gather3A_242 = vector.shape_cast %broadcast_in_dim3A_241 : vector<16x1xi32> to vector<16xi32>
      %gather3A_243 = tpu.dynamic_gather %mul3A_209[%gather3A_242] in [0] : vector<16xf32>, vector<16xi32> -> vector<16xf32>
      %broadcast_in_dim3A_244 = arith.constant 3 : i32
      %broadcast_in_dim3A_245 = vector.broadcast %broadcast_in_dim3A_244 : i32 to vector<16xi32>
      %lt3A_246 = arith.constant 0 : i32
      %lt3A_247 = vector.broadcast %lt3A_246 : i32 to vector<16xi32>
      %lt3A_248 = arith.cmpi slt, %broadcast_in_dim3A_245, %lt3A_247 : vector<16xi32>
      %add3A_249 = arith.constant 16 : i32
      %add3A_250 = vector.broadcast %add3A_249 : i32 to vector<16xi32>
      %add3A_251 = arith.addi %broadcast_in_dim3A_245, %add3A_250 : vector<16xi32>
      %select_n3A_252 = arith.select %lt3A_248, %add3A_251, %broadcast_in_dim3A_245 : vector<16xi1>, vector<16xi32>
      %broadcast_in_dim3A_253 = vector.shape_cast %select_n3A_252 : vector<16xi32> to vector<16x1xi32>
      %gather3A_254 = vector.shape_cast %broadcast_in_dim3A_253 : vector<16x1xi32> to vector<16xi32>
      %gather3A_255 = tpu.dynamic_gather %mul3A_209[%gather3A_254] in [0] : vector<16xf32>, vector<16xi32> -> vector<16xf32>
      %broadcast_in_dim3A_256 = arith.constant 4 : i32
      %broadcast_in_dim3A_257 = vector.broadcast %broadcast_in_dim3A_256 : i32 to vector<16xi32>
      %lt3A_258 = arith.constant 0 : i32
      %lt3A_259 = vector.broadcast %lt3A_258 : i32 to vector<16xi32>
      %lt3A_260 = arith.cmpi slt, %broadcast_in_dim3A_257, %lt3A_259 : vector<16xi32>
      %add3A_261 = arith.constant 16 : i32
      %add3A_262 = vector.broadcast %add3A_261 : i32 to vector<16xi32>
      %add3A_263 = arith.addi %broadcast_in_dim3A_257, %add3A_262 : vector<16xi32>
      %select_n3A_264 = arith.select %lt3A_260, %add3A_263, %broadcast_in_dim3A_257 : vector<16xi1>, vector<16xi32>
      %broadcast_in_dim3A_265 = vector.shape_cast %select_n3A_264 : vector<16xi32> to vector<16x1xi32>
      %gather3A_266 = vector.shape_cast %broadcast_in_dim3A_265 : vector<16x1xi32> to vector<16xi32>
      %gather3A_267 = tpu.dynamic_gather %mul3A_209[%gather3A_266] in [0] : vector<16xf32>, vector<16xi32> -> vector<16xf32>
      %broadcast_in_dim3A_268 = arith.constant 5 : i32
      %broadcast_in_dim3A_269 = vector.broadcast %broadcast_in_dim3A_268 : i32 to vector<16xi32>
      %lt3A_270 = arith.constant 0 : i32
      %lt3A_271 = vector.broadcast %lt3A_270 : i32 to vector<16xi32>
      %lt3A_272 = arith.cmpi slt, %broadcast_in_dim3A_269, %lt3A_271 : vector<16xi32>
      %add3A_273 = arith.constant 16 : i32
      %add3A_274 = vector.broadcast %add3A_273 : i32 to vector<16xi32>
      %add3A_275 = arith.addi %broadcast_in_dim3A_269, %add3A_274 : vector<16xi32>
      %select_n3A_276 = arith.select %lt3A_272, %add3A_275, %broadcast_in_dim3A_269 : vector<16xi1>, vector<16xi32>
      %broadcast_in_dim3A_277 = vector.shape_cast %select_n3A_276 : vector<16xi32> to vector<16x1xi32>
      %gather3A_278 = vector.shape_cast %broadcast_in_dim3A_277 : vector<16x1xi32> to vector<16xi32>
      %gather3A_279 = tpu.dynamic_gather %mul3A_209[%gather3A_278] in [0] : vector<16xf32>, vector<16xi32> -> vector<16xf32>
      %broadcast_in_dim3A_280 = arith.constant 6 : i32
      %broadcast_in_dim3A_281 = vector.broadcast %broadcast_in_dim3A_280 : i32 to vector<16xi32>
      %lt3A_282 = arith.constant 0 : i32
      %lt3A_283 = vector.broadcast %lt3A_282 : i32 to vector<16xi32>
      %lt3A_284 = arith.cmpi slt, %broadcast_in_dim3A_281, %lt3A_283 : vector<16xi32>
      %add3A_285 = arith.constant 16 : i32
      %add3A_286 = vector.broadcast %add3A_285 : i32 to vector<16xi32>
      %add3A_287 = arith.addi %broadcast_in_dim3A_281, %add3A_286 : vector<16xi32>
      %select_n3A_288 = arith.select %lt3A_284, %add3A_287, %broadcast_in_dim3A_281 : vector<16xi1>, vector<16xi32>
      %broadcast_in_dim3A_289 = vector.shape_cast %select_n3A_288 : vector<16xi32> to vector<16x1xi32>
      %gather3A_290 = vector.shape_cast %broadcast_in_dim3A_289 : vector<16x1xi32> to vector<16xi32>
      %gather3A_291 = tpu.dynamic_gather %mul3A_209[%gather3A_290] in [0] : vector<16xf32>, vector<16xi32> -> vector<16xf32>
      %broadcast_in_dim3A_292 = arith.constant 7 : i32
      %broadcast_in_dim3A_293 = vector.broadcast %broadcast_in_dim3A_292 : i32 to vector<16xi32>
      %lt3A_294 = arith.constant 0 : i32
      %lt3A_295 = vector.broadcast %lt3A_294 : i32 to vector<16xi32>
      %lt3A_296 = arith.cmpi slt, %broadcast_in_dim3A_293, %lt3A_295 : vector<16xi32>
      %add3A_297 = arith.constant 16 : i32
      %add3A_298 = vector.broadcast %add3A_297 : i32 to vector<16xi32>
      %add3A_299 = arith.addi %broadcast_in_dim3A_293, %add3A_298 : vector<16xi32>
      %select_n3A_300 = arith.select %lt3A_296, %add3A_299, %broadcast_in_dim3A_293 : vector<16xi1>, vector<16xi32>
      %broadcast_in_dim3A_301 = vector.shape_cast %select_n3A_300 : vector<16xi32> to vector<16x1xi32>
      %gather3A_302 = vector.shape_cast %broadcast_in_dim3A_301 : vector<16x1xi32> to vector<16xi32>
      %gather3A_303 = tpu.dynamic_gather %mul3A_209[%gather3A_302] in [0] : vector<16xf32>, vector<16xi32> -> vector<16xf32>
      %broadcast_in_dim3A_304 = arith.constant 8 : i32
      %broadcast_in_dim3A_305 = vector.broadcast %broadcast_in_dim3A_304 : i32 to vector<16xi32>
      %lt3A_306 = arith.constant 0 : i32
      %lt3A_307 = vector.broadcast %lt3A_306 : i32 to vector<16xi32>
      %lt3A_308 = arith.cmpi slt, %broadcast_in_dim3A_305, %lt3A_307 : vector<16xi32>
      %add3A_309 = arith.constant 16 : i32
      %add3A_310 = vector.broadcast %add3A_309 : i32 to vector<16xi32>
      %add3A_311 = arith.addi %broadcast_in_dim3A_305, %add3A_310 : vector<16xi32>
      %select_n3A_312 = arith.select %lt3A_308, %add3A_311, %broadcast_in_dim3A_305 : vector<16xi1>, vector<16xi32>
      %broadcast_in_dim3A_313 = vector.shape_cast %select_n3A_312 : vector<16xi32> to vector<16x1xi32>
      %gather3A_314 = vector.shape_cast %broadcast_in_dim3A_313 : vector<16x1xi32> to vector<16xi32>
      %gather3A_315 = tpu.dynamic_gather %mul3A_209[%gather3A_314] in [0] : vector<16xf32>, vector<16xi32> -> vector<16xf32>
      %broadcast_in_dim3A_316 = arith.constant 9 : i32
      %broadcast_in_dim3A_317 = vector.broadcast %broadcast_in_dim3A_316 : i32 to vector<16xi32>
      %lt3A_318 = arith.constant 0 : i32
      %lt3A_319 = vector.broadcast %lt3A_318 : i32 to vector<16xi32>
      %lt3A_320 = arith.cmpi slt, %broadcast_in_dim3A_317, %lt3A_319 : vector<16xi32>
      %add3A_321 = arith.constant 16 : i32
      %add3A_322 = vector.broadcast %add3A_321 : i32 to vector<16xi32>
      %add3A_323 = arith.addi %broadcast_in_dim3A_317, %add3A_322 : vector<16xi32>
      %select_n3A_324 = arith.select %lt3A_320, %add3A_323, %broadcast_in_dim3A_317 : vector<16xi1>, vector<16xi32>
      %broadcast_in_dim3A_325 = vector.shape_cast %select_n3A_324 : vector<16xi32> to vector<16x1xi32>
      %gather3A_326 = vector.shape_cast %broadcast_in_dim3A_325 : vector<16x1xi32> to vector<16xi32>
      %gather3A_327 = tpu.dynamic_gather %mul3A_209[%gather3A_326] in [0] : vector<16xf32>, vector<16xi32> -> vector<16xf32>
      %broadcast_in_dim3A_328 = arith.constant 10 : i32
      %broadcast_in_dim3A_329 = vector.broadcast %broadcast_in_dim3A_328 : i32 to vector<16xi32>
      %lt3A_330 = arith.constant 0 : i32
      %lt3A_331 = vector.broadcast %lt3A_330 : i32 to vector<16xi32>
      %lt3A_332 = arith.cmpi slt, %broadcast_in_dim3A_329, %lt3A_331 : vector<16xi32>
      %add3A_333 = arith.constant 16 : i32
      %add3A_334 = vector.broadcast %add3A_333 : i32 to vector<16xi32>
      %add3A_335 = arith.addi %broadcast_in_dim3A_329, %add3A_334 : vector<16xi32>
      %select_n3A_336 = arith.select %lt3A_332, %add3A_335, %broadcast_in_dim3A_329 : vector<16xi1>, vector<16xi32>
      %broadcast_in_dim3A_337 = vector.shape_cast %select_n3A_336 : vector<16xi32> to vector<16x1xi32>
      %gather3A_338 = vector.shape_cast %broadcast_in_dim3A_337 : vector<16x1xi32> to vector<16xi32>
      %gather3A_339 = tpu.dynamic_gather %mul3A_209[%gather3A_338] in [0] : vector<16xf32>, vector<16xi32> -> vector<16xf32>
      %broadcast_in_dim3A_340 = arith.constant 11 : i32
      %broadcast_in_dim3A_341 = vector.broadcast %broadcast_in_dim3A_340 : i32 to vector<16xi32>
      %lt3A_342 = arith.constant 0 : i32
      %lt3A_343 = vector.broadcast %lt3A_342 : i32 to vector<16xi32>
      %lt3A_344 = arith.cmpi slt, %broadcast_in_dim3A_341, %lt3A_343 : vector<16xi32>
      %add3A_345 = arith.constant 16 : i32
      %add3A_346 = vector.broadcast %add3A_345 : i32 to vector<16xi32>
      %add3A_347 = arith.addi %broadcast_in_dim3A_341, %add3A_346 : vector<16xi32>
      %select_n3A_348 = arith.select %lt3A_344, %add3A_347, %broadcast_in_dim3A_341 : vector<16xi1>, vector<16xi32>
      %broadcast_in_dim3A_349 = vector.shape_cast %select_n3A_348 : vector<16xi32> to vector<16x1xi32>
      %gather3A_350 = vector.shape_cast %broadcast_in_dim3A_349 : vector<16x1xi32> to vector<16xi32>
      %gather3A_351 = tpu.dynamic_gather %mul3A_209[%gather3A_350] in [0] : vector<16xf32>, vector<16xi32> -> vector<16xf32>
      %broadcast_in_dim3A_352 = arith.constant 12 : i32
      %broadcast_in_dim3A_353 = vector.broadcast %broadcast_in_dim3A_352 : i32 to vector<16xi32>
      %lt3A_354 = arith.constant 0 : i32
      %lt3A_355 = vector.broadcast %lt3A_354 : i32 to vector<16xi32>
      %lt3A_356 = arith.cmpi slt, %broadcast_in_dim3A_353, %lt3A_355 : vector<16xi32>
      %add3A_357 = arith.constant 16 : i32
      %add3A_358 = vector.broadcast %add3A_357 : i32 to vector<16xi32>
      %add3A_359 = arith.addi %broadcast_in_dim3A_353, %add3A_358 : vector<16xi32>
      %select_n3A_360 = arith.select %lt3A_356, %add3A_359, %broadcast_in_dim3A_353 : vector<16xi1>, vector<16xi32>
      %broadcast_in_dim3A_361 = vector.shape_cast %select_n3A_360 : vector<16xi32> to vector<16x1xi32>
      %gather3A_362 = vector.shape_cast %broadcast_in_dim3A_361 : vector<16x1xi32> to vector<16xi32>
      %gather3A_363 = tpu.dynamic_gather %mul3A_209[%gather3A_362] in [0] : vector<16xf32>, vector<16xi32> -> vector<16xf32>
      %broadcast_in_dim3A_364 = arith.constant 13 : i32
      %broadcast_in_dim3A_365 = vector.broadcast %broadcast_in_dim3A_364 : i32 to vector<16xi32>
      %lt3A_366 = arith.constant 0 : i32
      %lt3A_367 = vector.broadcast %lt3A_366 : i32 to vector<16xi32>
      %lt3A_368 = arith.cmpi slt, %broadcast_in_dim3A_365, %lt3A_367 : vector<16xi32>
      %add3A_369 = arith.constant 16 : i32
      %add3A_370 = vector.broadcast %add3A_369 : i32 to vector<16xi32>
      %add3A_371 = arith.addi %broadcast_in_dim3A_365, %add3A_370 : vector<16xi32>
      %select_n3A_372 = arith.select %lt3A_368, %add3A_371, %broadcast_in_dim3A_365 : vector<16xi1>, vector<16xi32>
      %broadcast_in_dim3A_373 = vector.shape_cast %select_n3A_372 : vector<16xi32> to vector<16x1xi32>
      %gather3A_374 = vector.shape_cast %broadcast_in_dim3A_373 : vector<16x1xi32> to vector<16xi32>
      %gather3A_375 = tpu.dynamic_gather %mul3A_209[%gather3A_374] in [0] : vector<16xf32>, vector<16xi32> -> vector<16xf32>
      %broadcast_in_dim3A_376 = arith.constant 14 : i32
      %broadcast_in_dim3A_377 = vector.broadcast %broadcast_in_dim3A_376 : i32 to vector<16xi32>
      %lt3A_378 = arith.constant 0 : i32
      %lt3A_379 = vector.broadcast %lt3A_378 : i32 to vector<16xi32>
      %lt3A_380 = arith.cmpi slt, %broadcast_in_dim3A_377, %lt3A_379 : vector<16xi32>
      %add3A_381 = arith.constant 16 : i32
      %add3A_382 = vector.broadcast %add3A_381 : i32 to vector<16xi32>
      %add3A_383 = arith.addi %broadcast_in_dim3A_377, %add3A_382 : vector<16xi32>
      %select_n3A_384 = arith.select %lt3A_380, %add3A_383, %broadcast_in_dim3A_377 : vector<16xi1>, vector<16xi32>
      %broadcast_in_dim3A_385 = vector.shape_cast %select_n3A_384 : vector<16xi32> to vector<16x1xi32>
      %gather3A_386 = vector.shape_cast %broadcast_in_dim3A_385 : vector<16x1xi32> to vector<16xi32>
      %gather3A_387 = tpu.dynamic_gather %mul3A_209[%gather3A_386] in [0] : vector<16xf32>, vector<16xi32> -> vector<16xf32>
      %broadcast_in_dim3A_388 = arith.constant 15 : i32
      %broadcast_in_dim3A_389 = vector.broadcast %broadcast_in_dim3A_388 : i32 to vector<16xi32>
      %lt3A_390 = arith.constant 0 : i32
      %lt3A_391 = vector.broadcast %lt3A_390 : i32 to vector<16xi32>
      %lt3A_392 = arith.cmpi slt, %broadcast_in_dim3A_389, %lt3A_391 : vector<16xi32>
      %add3A_393 = arith.constant 16 : i32
      %add3A_394 = vector.broadcast %add3A_393 : i32 to vector<16xi32>
      %add3A_395 = arith.addi %broadcast_in_dim3A_389, %add3A_394 : vector<16xi32>
      %select_n3A_396 = arith.select %lt3A_392, %add3A_395, %broadcast_in_dim3A_389 : vector<16xi1>, vector<16xi32>
      %broadcast_in_dim3A_397 = vector.shape_cast %select_n3A_396 : vector<16xi32> to vector<16x1xi32>
      %gather3A_398 = vector.shape_cast %broadcast_in_dim3A_397 : vector<16x1xi32> to vector<16xi32>
      %gather3A_399 = tpu.dynamic_gather %mul3A_209[%gather3A_398] in [0] : vector<16xf32>, vector<16xi32> -> vector<16xf32>
      %scan3A_400 = arith.constant 0 : i32
      %scan3A_401 = arith.constant 0 : i32
      %scan3A_402 = arith.constant 32 : i32
      %scan3A_403 = arith.addi %scan3A_401, %scan3A_402 : i32
      %scan3A_404 = arith.constant 1 : i32
      %scan3A_405 = scf.for %scan3A_425 = %scan3A_401 to %scan3A_403 step %scan3A_404 iter_args(%scan3A_426 = %scan3A_400) -> (i32)  : i32 {
        %mul3A_427 = arith.constant 2 : i32
        %mul3A_428 = arith.muli %scan3A_425, %mul3A_427 : i32
        %add3A_429 = arith.constant 0 : i32
        %add3A_430 = arith.addi %mul3A_428, %add3A_429 : i32
        %mul3A_431 = arith.constant 16 : i32
        %mul3A_432 = arith.muli %add3A_430, %mul3A_431 : i32
        %get3A = arith.index_cast %mul3A_432 : i32 to index
        %get3A_433 = tpu.vector_load %arg8[%get3A] {strides = array<i32>} : memref<1024xf32, #tpu.memory_space<vmem>>, vector<16xf32>,
        %get3A_434 = vector.shape_cast %get3A_433 : vector<16xf32> to vector<16xf32>
        %get3A_435 = arith.constant 0 : i32
        %get3A_436 = arith.index_cast %rem3A_136 : i32 to index
        %get3A_437 = arith.index_cast %get3A_435 : i32 to index
        %get3A_438 = arith.index_cast %mul3A_432 : i32 to index
        %get3A_439 = tpu.vector_load %arg7[%get3A_436, %get3A_437, %get3A_438] {strides = array<i32>} : memref<5x16x1024xf32, #tpu.memory_space<vmem>>, vector<1x1x16xf32>,
        %get3A_440 = vector.shape_cast %get3A_439 : vector<1x1x16xf32> to vector<16xf32>
        %mul3A_441 = arith.mulf %get3A_440, %gather3A_219 : vector<16xf32>
        %mul3A_442 = arith.mulf %mul3A_441, %get3A_434 : vector<16xf32>
        %swap3A = arith.constant 0 : i32
        %swap3A_443 = arith.index_cast %rem3A_136 : i32 to index
        %swap3A_444 = arith.index_cast %swap3A : i32 to index
        %swap3A_445 = arith.index_cast %mul3A_432 : i32 to index
        %swap3A_446 = tpu.vector_load %arg7[%swap3A_443, %swap3A_444, %swap3A_445] {strides = array<i32>} : memref<5x16x1024xf32, #tpu.memory_space<vmem>>, vector<1x1x16xf32>,
        %swap3A_447 = vector.shape_cast %swap3A_446 : vector<1x1x16xf32> to vector<16xf32>
        %swap3A_448 = vector.shape_cast %mul3A_442 : vector<16xf32> to vector<1x1x16xf32>
        tpu.vector_store %arg7[%swap3A_443, %swap3A_444, %swap3A_445], %swap3A_448 {strides = array<i32>} : memref<5x16x1024xf32, #tpu.memory_space<vmem>>, vector<1x1x16xf32>,
        %get3A_449 = arith.constant 1 : i32
        %get3A_450 = arith.index_cast %rem3A_136 : i32 to index
        %get3A_451 = arith.index_cast %get3A_449 : i32 to index
        %get3A_452 = arith.index_cast %mul3A_432 : i32 to index
        %get3A_453 = tpu.vector_load %arg7[%get3A_450, %get3A_451, %get3A_452] {strides = array<i32>} : memref<5x16x1024xf32, #tpu.memory_space<vmem>>, vector<1x1x16xf32>,
        %get3A_454 = vector.shape_cast %get3A_453 : vector<1x1x16xf32> to vector<16xf32>
        %mul3A_455 = arith.mulf %get3A_454, %gather3A_231 : vector<16xf32>
        %mul3A_456 = arith.mulf %mul3A_455, %get3A_434 : vector<16xf32>
        %swap3A_457 = arith.constant 1 : i32
        %swap3A_458 = arith.index_cast %rem3A_136 : i32 to index
        %swap3A_459 = arith.index_cast %swap3A_457 : i32 to index
        %swap3A_460 = arith.index_cast %mul3A_432 : i32 to index
        %swap3A_461 = tpu.vector_load %arg7[%swap3A_458, %swap3A_459, %swap3A_460] {strides = array<i32>} : memref<5x16x1024xf32, #tpu.memory_space<vmem>>, vector<1x1x16xf32>,
        %swap3A_462 = vector.shape_cast %swap3A_461 : vector<1x1x16xf32> to vector<16xf32>
        %swap3A_463 = vector.shape_cast %mul3A_456 : vector<16xf32> to vector<1x1x16xf32>
        tpu.vector_store %arg7[%swap3A_458, %swap3A_459, %swap3A_460], %swap3A_463 {strides = array<i32>} : memref<5x16x1024xf32, #tpu.memory_space<vmem>>, vector<1x1x16xf32>,
        %get3A_464 = arith.constant 2 : i32
        %get3A_465 = arith.index_cast %rem3A_136 : i32 to index
        %get3A_466 = arith.index_cast %get3A_464 : i32 to index
        %get3A_467 = arith.index_cast %mul3A_432 : i32 to index
        %get3A_468 = tpu.vector_load %arg7[%get3A_465, %get3A_466, %get3A_467] {strides = array<i32>} : memref<5x16x1024xf32, #tpu.memory_space<vmem>>, vector<1x1x16xf32>,
        %get3A_469 = vector.shape_cast %get3A_468 : vector<1x1x16xf32> to vector<16xf32>
        %mul3A_470 = arith.mulf %get3A_469, %gather3A_243 : vector<16xf32>
        %mul3A_471 = arith.mulf %mul3A_470, %get3A_434 : vector<16xf32>
        %swap3A_472 = arith.constant 2 : i32
        %swap3A_473 = arith.index_cast %rem3A_136 : i32 to index
        %swap3A_474 = arith.index_cast %swap3A_472 : i32 to index
        %swap3A_475 = arith.index_cast %mul3A_432 : i32 to index
        %swap3A_476 = tpu.vector_load %arg7[%swap3A_473, %swap3A_474, %swap3A_475] {strides = array<i32>} : memref<5x16x1024xf32, #tpu.memory_space<vmem>>, vector<1x1x16xf32>,
        %swap3A_477 = vector.shape_cast %swap3A_476 : vector<1x1x16xf32> to vector<16xf32>
        %swap3A_478 = vector.shape_cast %mul3A_471 : vector<16xf32> to vector<1x1x16xf32>
        tpu.vector_store %arg7[%swap3A_473, %swap3A_474, %swap3A_475], %swap3A_478 {strides = array<i32>} : memref<5x16x1024xf32, #tpu.memory_space<vmem>>, vector<1x1x16xf32>,
        %get3A_479 = arith.constant 3 : i32
        %get3A_480 = arith.index_cast %rem3A_136 : i32 to index
        %get3A_481 = arith.index_cast %get3A_479 : i32 to index
        %get3A_482 = arith.index_cast %mul3A_432 : i32 to index
        %get3A_483 = tpu.vector_load %arg7[%get3A_480, %get3A_481, %get3A_482] {strides = array<i32>} : memref<5x16x1024xf32, #tpu.memory_space<vmem>>, vector<1x1x16xf32>,
        %get3A_484 = vector.shape_cast %get3A_483 : vector<1x1x16xf32> to vector<16xf32>
        %mul3A_485 = arith.mulf %get3A_484, %gather3A_255 : vector<16xf32>
        %mul3A_486 = arith.mulf %mul3A_485, %get3A_434 : vector<16xf32>
        %swap3A_487 = arith.constant 3 : i32
        %swap3A_488 = arith.index_cast %rem3A_136 : i32 to index
        %swap3A_489 = arith.index_cast %swap3A_487 : i32 to index
        %swap3A_490 = arith.index_cast %mul3A_432 : i32 to index
        %swap3A_491 = tpu.vector_load %arg7[%swap3A_488, %swap3A_489, %swap3A_490] {strides = array<i32>} : memref<5x16x1024xf32, #tpu.memory_space<vmem>>, vector<1x1x16xf32>,
        %swap3A_492 = vector.shape_cast %swap3A_491 : vector<1x1x16xf32> to vector<16xf32>
        %swap3A_493 = vector.shape_cast %mul3A_486 : vector<16xf32> to vector<1x1x16xf32>
        tpu.vector_store %arg7[%swap3A_488, %swap3A_489, %swap3A_490], %swap3A_493 {strides = array<i32>} : memref<5x16x1024xf32, #tpu.memory_space<vmem>>, vector<1x1x16xf32>,
        %get3A_494 = arith.constant 4 : i32
        %get3A_495 = arith.index_cast %rem3A_136 : i32 to index
        %get3A_496 = arith.index_cast %get3A_494 : i32 to index
        %get3A_497 = arith.index_cast %mul3A_432 : i32 to index
        %get3A_498 = tpu.vector_load %arg7[%get3A_495, %get3A_496, %get3A_497] {strides = array<i32>} : memref<5x16x1024xf32, #tpu.memory_space<vmem>>, vector<1x1x16xf32>,
        %get3A_499 = vector.shape_cast %get3A_498 : vector<1x1x16xf32> to vector<16xf32>
        %mul3A_500 = arith.mulf %get3A_499, %gather3A_267 : vector<16xf32>
        %mul3A_501 = arith.mulf %mul3A_500, %get3A_434 : vector<16xf32>
        %swap3A_502 = arith.constant 4 : i32
        %swap3A_503 = arith.index_cast %rem3A_136 : i32 to index
        %swap3A_504 = arith.index_cast %swap3A_502 : i32 to index
        %swap3A_505 = arith.index_cast %mul3A_432 : i32 to index
        %swap3A_506 = tpu.vector_load %arg7[%swap3A_503, %swap3A_504, %swap3A_505] {strides = array<i32>} : memref<5x16x1024xf32, #tpu.memory_space<vmem>>, vector<1x1x16xf32>,
        %swap3A_507 = vector.shape_cast %swap3A_506 : vector<1x1x16xf32> to vector<16xf32>
        %swap3A_508 = vector.shape_cast %mul3A_501 : vector<16xf32> to vector<1x1x16xf32>
        tpu.vector_store %arg7[%swap3A_503, %swap3A_504, %swap3A_505], %swap3A_508 {strides = array<i32>} : memref<5x16x1024xf32, #tpu.memory_space<vmem>>, vector<1x1x16xf32>,
        %get3A_509 = arith.constant 5 : i32
        %get3A_510 = arith.index_cast %rem3A_136 : i32 to index
        %get3A_511 = arith.index_cast %get3A_509 : i32 to index
        %get3A_512 = arith.index_cast %mul3A_432 : i32 to index
        %get3A_513 = tpu.vector_load %arg7[%get3A_510, %get3A_511, %get3A_512] {strides = array<i32>} : memref<5x16x1024xf32, #tpu.memory_space<vmem>>, vector<1x1x16xf32>,
        %get3A_514 = vector.shape_cast %get3A_513 : vector<1x1x16xf32> to vector<16xf32>
        %mul3A_515 = arith.mulf %get3A_514, %gather3A_279 : vector<16xf32>
        %mul3A_516 = arith.mulf %mul3A_515, %get3A_434 : vector<16xf32>
        %swap3A_517 = arith.constant 5 : i32
        %swap3A_518 = arith.index_cast %rem3A_136 : i32 to index
        %swap3A_519 = arith.index_cast %swap3A_517 : i32 to index
        %swap3A_520 = arith.index_cast %mul3A_432 : i32 to index
        %swap3A_521 = tpu.vector_load %arg7[%swap3A_518, %swap3A_519, %swap3A_520] {strides = array<i32>} : memref<5x16x1024xf32, #tpu.memory_space<vmem>>, vector<1x1x16xf32>,
        %swap3A_522 = vector.shape_cast %swap3A_521 : vector<1x1x16xf32> to vector<16xf32>
        %swap3A_523 = vector.shape_cast %mul3A_516 : vector<16xf32> to vector<1x1x16xf32>
        tpu.vector_store %arg7[%swap3A_518, %swap3A_519, %swap3A_520], %swap3A_523 {strides = array<i32>} : memref<5x16x1024xf32, #tpu.memory_space<vmem>>, vector<1x1x16xf32>,
        %get3A_524 = arith.constant 6 : i32
        %get3A_525 = arith.index_cast %rem3A_136 : i32 to index
        %get3A_526 = arith.index_cast %get3A_524 : i32 to index
        %get3A_527 = arith.index_cast %mul3A_432 : i32 to index
        %get3A_528 = tpu.vector_load %arg7[%get3A_525, %get3A_526, %get3A_527] {strides = array<i32>} : memref<5x16x1024xf32, #tpu.memory_space<vmem>>, vector<1x1x16xf32>,
        %get3A_529 = vector.shape_cast %get3A_528 : vector<1x1x16xf32> to vector<16xf32>
        %mul3A_530 = arith.mulf %get3A_529, %gather3A_291 : vector<16xf32>
        %mul3A_531 = arith.mulf %mul3A_530, %get3A_434 : vector<16xf32>
        %swap3A_532 = arith.constant 6 : i32
        %swap3A_533 = arith.index_cast %rem3A_136 : i32 to index
        %swap3A_534 = arith.index_cast %swap3A_532 : i32 to index
        %swap3A_535 = arith.index_cast %mul3A_432 : i32 to index
        %swap3A_536 = tpu.vector_load %arg7[%swap3A_533, %swap3A_534, %swap3A_535] {strides = array<i32>} : memref<5x16x1024xf32, #tpu.memory_space<vmem>>, vector<1x1x16xf32>,
        %swap3A_537 = vector.shape_cast %swap3A_536 : vector<1x1x16xf32> to vector<16xf32>
        %swap3A_538 = vector.shape_cast %mul3A_531 : vector<16xf32> to vector<1x1x16xf32>
        tpu.vector_store %arg7[%swap3A_533, %swap3A_534, %swap3A_535], %swap3A_538 {strides = array<i32>} : memref<5x16x1024xf32, #tpu.memory_space<vmem>>, vector<1x1x16xf32>,
        %get3A_539 = arith.constant 7 : i32
        %get3A_540 = arith.index_cast %rem3A_136 : i32 to index
        %get3A_541 = arith.index_cast %get3A_539 : i32 to index
        %get3A_542 = arith.index_cast %mul3A_432 : i32 to index
        %get3A_543 = tpu.vector_load %arg7[%get3A_540, %get3A_541, %get3A_542] {strides = array<i32>} : memref<5x16x1024xf32, #tpu.memory_space<vmem>>, vector<1x1x16xf32>,
        %get3A_544 = vector.shape_cast %get3A_543 : vector<1x1x16xf32> to vector<16xf32>
        %mul3A_545 = arith.mulf %get3A_544, %gather3A_303 : vector<16xf32>
        %mul3A_546 = arith.mulf %mul3A_545, %get3A_434 : vector<16xf32>
        %swap3A_547 = arith.constant 7 : i32
        %swap3A_548 = arith.index_cast %rem3A_136 : i32 to index
        %swap3A_549 = arith.index_cast %swap3A_547 : i32 to index
        %swap3A_550 = arith.index_cast %mul3A_432 : i32 to index
        %swap3A_551 = tpu.vector_load %arg7[%swap3A_548, %swap3A_549, %swap3A_550] {strides = array<i32>} : memref<5x16x1024xf32, #tpu.memory_space<vmem>>, vector<1x1x16xf32>,
        %swap3A_552 = vector.shape_cast %swap3A_551 : vector<1x1x16xf32> to vector<16xf32>
        %swap3A_553 = vector.shape_cast %mul3A_546 : vector<16xf32> to vector<1x1x16xf32>
        tpu.vector_store %arg7[%swap3A_548, %swap3A_549, %swap3A_550], %swap3A_553 {strides = array<i32>} : memref<5x16x1024xf32, #tpu.memory_space<vmem>>, vector<1x1x16xf32>,
        %get3A_554 = arith.constant 8 : i32
        %get3A_555 = arith.index_cast %rem3A_136 : i32 to index
        %get3A_556 = arith.index_cast %get3A_554 : i32 to index
        %get3A_557 = arith.index_cast %mul3A_432 : i32 to index
        %get3A_558 = tpu.vector_load %arg7[%get3A_555, %get3A_556, %get3A_557] {strides = array<i32>} : memref<5x16x1024xf32, #tpu.memory_space<vmem>>, vector<1x1x16xf32>,
        %get3A_559 = vector.shape_cast %get3A_558 : vector<1x1x16xf32> to vector<16xf32>
        %mul3A_560 = arith.mulf %get3A_559, %gather3A_315 : vector<16xf32>
        %mul3A_561 = arith.mulf %mul3A_560, %get3A_434 : vector<16xf32>
        %swap3A_562 = arith.constant 8 : i32
        %swap3A_563 = arith.index_cast %rem3A_136 : i32 to index
        %swap3A_564 = arith.index_cast %swap3A_562 : i32 to index
        %swap3A_565 = arith.index_cast %mul3A_432 : i32 to index
        %swap3A_566 = tpu.vector_load %arg7[%swap3A_563, %swap3A_564, %swap3A_565] {strides = array<i32>} : memref<5x16x1024xf32, #tpu.memory_space<vmem>>, vector<1x1x16xf32>,
        %swap3A_567 = vector.shape_cast %swap3A_566 : vector<1x1x16xf32> to vector<16xf32>
        %swap3A_568 = vector.shape_cast %mul3A_561 : vector<16xf32> to vector<1x1x16xf32>
        tpu.vector_store %arg7[%swap3A_563, %swap3A_564, %swap3A_565], %swap3A_568 {strides = array<i32>} : memref<5x16x1024xf32, #tpu.memory_space<vmem>>, vector<1x1x16xf32>,
        %get3A_569 = arith.constant 9 : i32
        %get3A_570 = arith.index_cast %rem3A_136 : i32 to index
        %get3A_571 = arith.index_cast %get3A_569 : i32 to index
        %get3A_572 = arith.index_cast %mul3A_432 : i32 to index
        %get3A_573 = tpu.vector_load %arg7[%get3A_570, %get3A_571, %get3A_572] {strides = array<i32>} : memref<5x16x1024xf32, #tpu.memory_space<vmem>>, vector<1x1x16xf32>,
        %get3A_574 = vector.shape_cast %get3A_573 : vector<1x1x16xf32> to vector<16xf32>
        %mul3A_575 = arith.mulf %get3A_574, %gather3A_327 : vector<16xf32>
        %mul3A_576 = arith.mulf %mul3A_575, %get3A_434 : vector<16xf32>
        %swap3A_577 = arith.constant 9 : i32
        %swap3A_578 = arith.index_cast %rem3A_136 : i32 to index
        %swap3A_579 = arith.index_cast %swap3A_577 : i32 to index
        %swap3A_580 = arith.index_cast %mul3A_432 : i32 to index
        %swap3A_581 = tpu.vector_load %arg7[%swap3A_578, %swap3A_579, %swap3A_580] {strides = array<i32>} : memref<5x16x1024xf32, #tpu.memory_space<vmem>>, vector<1x1x16xf32>,
        %swap3A_582 = vector.shape_cast %swap3A_581 : vector<1x1x16xf32> to vector<16xf32>
        %swap3A_583 = vector.shape_cast %mul3A_576 : vector<16xf32> to vector<1x1x16xf32>
        tpu.vector_store %arg7[%swap3A_578, %swap3A_579, %swap3A_580], %swap3A_583 {strides = array<i32>} : memref<5x16x1024xf32, #tpu.memory_space<vmem>>, vector<1x1x16xf32>,
        %get3A_584 = arith.constant 10 : i32
        %get3A_585 = arith.index_cast %rem3A_136 : i32 to index
        %get3A_586 = arith.index_cast %get3A_584 : i32 to index
        %get3A_587 = arith.index_cast %mul3A_432 : i32 to index
        %get3A_588 = tpu.vector_load %arg7[%get3A_585, %get3A_586, %get3A_587] {strides = array<i32>} : memref<5x16x1024xf32, #tpu.memory_space<vmem>>, vector<1x1x16xf32>,
        %get3A_589 = vector.shape_cast %get3A_588 : vector<1x1x16xf32> to vector<16xf32>
        %mul3A_590 = arith.mulf %get3A_589, %gather3A_339 : vector<16xf32>
        %mul3A_591 = arith.mulf %mul3A_590, %get3A_434 : vector<16xf32>
        %swap3A_592 = arith.constant 10 : i32
        %swap3A_593 = arith.index_cast %rem3A_136 : i32 to index
        %swap3A_594 = arith.index_cast %swap3A_592 : i32 to index
        %swap3A_595 = arith.index_cast %mul3A_432 : i32 to index
        %swap3A_596 = tpu.vector_load %arg7[%swap3A_593, %swap3A_594, %swap3A_595] {strides = array<i32>} : memref<5x16x1024xf32, #tpu.memory_space<vmem>>, vector<1x1x16xf32>,
        %swap3A_597 = vector.shape_cast %swap3A_596 : vector<1x1x16xf32> to vector<16xf32>
        %swap3A_598 = vector.shape_cast %mul3A_591 : vector<16xf32> to vector<1x1x16xf32>
        tpu.vector_store %arg7[%swap3A_593, %swap3A_594, %swap3A_595], %swap3A_598 {strides = array<i32>} : memref<5x16x1024xf32, #tpu.memory_space<vmem>>, vector<1x1x16xf32>,
        %get3A_599 = arith.constant 11 : i32
        %get3A_600 = arith.index_cast %rem3A_136 : i32 to index
        %get3A_601 = arith.index_cast %get3A_599 : i32 to index
        %get3A_602 = arith.index_cast %mul3A_432 : i32 to index
        %get3A_603 = tpu.vector_load %arg7[%get3A_600, %get3A_601, %get3A_602] {strides = array<i32>} : memref<5x16x1024xf32, #tpu.memory_space<vmem>>, vector<1x1x16xf32>,
        %get3A_604 = vector.shape_cast %get3A_603 : vector<1x1x16xf32> to vector<16xf32>
        %mul3A_605 = arith.mulf %get3A_604, %gather3A_351 : vector<16xf32>
        %mul3A_606 = arith.mulf %mul3A_605, %get3A_434 : vector<16xf32>
        %swap3A_607 = arith.constant 11 : i32
        %swap3A_608 = arith.index_cast %rem3A_136 : i32 to index
        %swap3A_609 = arith.index_cast %swap3A_607 : i32 to index
        %swap3A_610 = arith.index_cast %mul3A_432 : i32 to index
        %swap3A_611 = tpu.vector_load %arg7[%swap3A_608, %swap3A_609, %swap3A_610] {strides = array<i32>} : memref<5x16x1024xf32, #tpu.memory_space<vmem>>, vector<1x1x16xf32>,
        %swap3A_612 = vector.shape_cast %swap3A_611 : vector<1x1x16xf32> to vector<16xf32>
        %swap3A_613 = vector.shape_cast %mul3A_606 : vector<16xf32> to vector<1x1x16xf32>
        tpu.vector_store %arg7[%swap3A_608, %swap3A_609, %swap3A_610], %swap3A_613 {strides = array<i32>} : memref<5x16x1024xf32, #tpu.memory_space<vmem>>, vector<1x1x16xf32>,
        %get3A_614 = arith.constant 12 : i32
        %get3A_615 = arith.index_cast %rem3A_136 : i32 to index
        %get3A_616 = arith.index_cast %get3A_614 : i32 to index
        %get3A_617 = arith.index_cast %mul3A_432 : i32 to index
        %get3A_618 = tpu.vector_load %arg7[%get3A_615, %get3A_616, %get3A_617] {strides = array<i32>} : memref<5x16x1024xf32, #tpu.memory_space<vmem>>, vector<1x1x16xf32>,
        %get3A_619 = vector.shape_cast %get3A_618 : vector<1x1x16xf32> to vector<16xf32>
        %mul3A_620 = arith.mulf %get3A_619, %gather3A_363 : vector<16xf32>
        %mul3A_621 = arith.mulf %mul3A_620, %get3A_434 : vector<16xf32>
        %swap3A_622 = arith.constant 12 : i32
        %swap3A_623 = arith.index_cast %rem3A_136 : i32 to index
        %swap3A_624 = arith.index_cast %swap3A_622 : i32 to index
        %swap3A_625 = arith.index_cast %mul3A_432 : i32 to index
        %swap3A_626 = tpu.vector_load %arg7[%swap3A_623, %swap3A_624, %swap3A_625] {strides = array<i32>} : memref<5x16x1024xf32, #tpu.memory_space<vmem>>, vector<1x1x16xf32>,
        %swap3A_627 = vector.shape_cast %swap3A_626 : vector<1x1x16xf32> to vector<16xf32>
        %swap3A_628 = vector.shape_cast %mul3A_621 : vector<16xf32> to vector<1x1x16xf32>
        tpu.vector_store %arg7[%swap3A_623, %swap3A_624, %swap3A_625], %swap3A_628 {strides = array<i32>} : memref<5x16x1024xf32, #tpu.memory_space<vmem>>, vector<1x1x16xf32>,
        %get3A_629 = arith.constant 13 : i32
        %get3A_630 = arith.index_cast %rem3A_136 : i32 to index
        %get3A_631 = arith.index_cast %get3A_629 : i32 to index
        %get3A_632 = arith.index_cast %mul3A_432 : i32 to index
        %get3A_633 = tpu.vector_load %arg7[%get3A_630, %get3A_631, %get3A_632] {strides = array<i32>} : memref<5x16x1024xf32, #tpu.memory_space<vmem>>, vector<1x1x16xf32>,
        %get3A_634 = vector.shape_cast %get3A_633 : vector<1x1x16xf32> to vector<16xf32>
        %mul3A_635 = arith.mulf %get3A_634, %gather3A_375 : vector<16xf32>
        %mul3A_636 = arith.mulf %mul3A_635, %get3A_434 : vector<16xf32>
        %swap3A_637 = arith.constant 13 : i32
        %swap3A_638 = arith.index_cast %rem3A_136 : i32 to index
        %swap3A_639 = arith.index_cast %swap3A_637 : i32 to index
        %swap3A_640 = arith.index_cast %mul3A_432 : i32 to index
        %swap3A_641 = tpu.vector_load %arg7[%swap3A_638, %swap3A_639, %swap3A_640] {strides = array<i32>} : memref<5x16x1024xf32, #tpu.memory_space<vmem>>, vector<1x1x16xf32>,
        %swap3A_642 = vector.shape_cast %swap3A_641 : vector<1x1x16xf32> to vector<16xf32>
        %swap3A_643 = vector.shape_cast %mul3A_636 : vector<16xf32> to vector<1x1x16xf32>
        tpu.vector_store %arg7[%swap3A_638, %swap3A_639, %swap3A_640], %swap3A_643 {strides = array<i32>} : memref<5x16x1024xf32, #tpu.memory_space<vmem>>, vector<1x1x16xf32>,
        %get3A_644 = arith.constant 14 : i32
        %get3A_645 = arith.index_cast %rem3A_136 : i32 to index
        %get3A_646 = arith.index_cast %get3A_644 : i32 to index
        %get3A_647 = arith.index_cast %mul3A_432 : i32 to index
        %get3A_648 = tpu.vector_load %arg7[%get3A_645, %get3A_646, %get3A_647] {strides = array<i32>} : memref<5x16x1024xf32, #tpu.memory_space<vmem>>, vector<1x1x16xf32>,
        %get3A_649 = vector.shape_cast %get3A_648 : vector<1x1x16xf32> to vector<16xf32>
        %mul3A_650 = arith.mulf %get3A_649, %gather3A_387 : vector<16xf32>
        %mul3A_651 = arith.mulf %mul3A_650, %get3A_434 : vector<16xf32>
        %swap3A_652 = arith.constant 14 : i32
        %swap3A_653 = arith.index_cast %rem3A_136 : i32 to index
        %swap3A_654 = arith.index_cast %swap3A_652 : i32 to index
        %swap3A_655 = arith.index_cast %mul3A_432 : i32 to index
        %swap3A_656 = tpu.vector_load %arg7[%swap3A_653, %swap3A_654, %swap3A_655] {strides = array<i32>} : memref<5x16x1024xf32, #tpu.memory_space<vmem>>, vector<1x1x16xf32>,
        %swap3A_657 = vector.shape_cast %swap3A_656 : vector<1x1x16xf32> to vector<16xf32>
        %swap3A_658 = vector.shape_cast %mul3A_651 : vector<16xf32> to vector<1x1x16xf32>
        tpu.vector_store %arg7[%swap3A_653, %swap3A_654, %swap3A_655], %swap3A_658 {strides = array<i32>} : memref<5x16x1024xf32, #tpu.memory_space<vmem>>, vector<1x1x16xf32>,
        %get3A_659 = arith.constant 15 : i32
        %get3A_660 = arith.index_cast %rem3A_136 : i32 to index
        %get3A_661 = arith.index_cast %get3A_659 : i32 to index
        %get3A_662 = arith.index_cast %mul3A_432 : i32 to index
        %get3A_663 = tpu.vector_load %arg7[%get3A_660, %get3A_661, %get3A_662] {strides = array<i32>} : memref<5x16x1024xf32, #tpu.memory_space<vmem>>, vector<1x1x16xf32>,
        %get3A_664 = vector.shape_cast %get3A_663 : vector<1x1x16xf32> to vector<16xf32>
        %mul3A_665 = arith.mulf %get3A_664, %gather3A_399 : vector<16xf32>
        %mul3A_666 = arith.mulf %mul3A_665, %get3A_434 : vector<16xf32>
        %swap3A_667 = arith.constant 15 : i32
        %swap3A_668 = arith.index_cast %rem3A_136 : i32 to index
        %swap3A_669 = arith.index_cast %swap3A_667 : i32 to index
        %swap3A_670 = arith.index_cast %mul3A_432 : i32 to index
        %swap3A_671 = tpu.vector_load %arg7[%swap3A_668, %swap3A_669, %swap3A_670] {strides = array<i32>} : memref<5x16x1024xf32, #tpu.memory_space<vmem>>, vector<1x1x16xf32>,
        %swap3A_672 = vector.shape_cast %swap3A_671 : vector<1x1x16xf32> to vector<16xf32>
        %swap3A_673 = vector.shape_cast %mul3A_666 : vector<16xf32> to vector<1x1x16xf32>
        tpu.vector_store %arg7[%swap3A_668, %swap3A_669, %swap3A_670], %swap3A_673 {strides = array<i32>} : memref<5x16x1024xf32, #tpu.memory_space<vmem>>, vector<1x1x16xf32>,
        %mul3A_674 = arith.constant 2 : i32
        %mul3A_675 = arith.muli %scan3A_425, %mul3A_674 : i32
        %add3A_676 = arith.constant 1 : i32
        %add3A_677 = arith.addi %mul3A_675, %add3A_676 : i32
        %mul3A_678 = arith.constant 16 : i32
        %mul3A_679 = arith.muli %add3A_677, %mul3A_678 : i32
        %get3A_680 = arith.index_cast %mul3A_679 : i32 to index
        %get3A_681 = tpu.vector_load %arg8[%get3A_680] {strides = array<i32>} : memref<1024xf32, #tpu.memory_space<vmem>>, vector<16xf32>,
        %get3A_682 = vector.shape_cast %get3A_681 : vector<16xf32> to vector<16xf32>
        %get3A_683 = arith.constant 0 : i32
        %get3A_684 = arith.index_cast %rem3A_136 : i32 to index
        %get3A_685 = arith.index_cast %get3A_683 : i32 to index
        %get3A_686 = arith.index_cast %mul3A_679 : i32 to index
        %get3A_687 = tpu.vector_load %arg7[%get3A_684, %get3A_685, %get3A_686] {strides = array<i32>} : memref<5x16x1024xf32, #tpu.memory_space<vmem>>, vector<1x1x16xf32>,
        %get3A_688 = vector.shape_cast %get3A_687 : vector<1x1x16xf32> to vector<16xf32>
        %mul3A_689 = arith.mulf %get3A_688, %gather3A_219 : vector<16xf32>
        %mul3A_690 = arith.mulf %mul3A_689, %get3A_682 : vector<16xf32>
        %swap3A_691 = arith.constant 0 : i32
        %swap3A_692 = arith.index_cast %rem3A_136 : i32 to index
        %swap3A_693 = arith.index_cast %swap3A_691 : i32 to index
        %swap3A_694 = arith.index_cast %mul3A_679 : i32 to index
        %swap3A_695 = tpu.vector_load %arg7[%swap3A_692, %swap3A_693, %swap3A_694] {strides = array<i32>} : memref<5x16x1024xf32, #tpu.memory_space<vmem>>, vector<1x1x16xf32>,
        %swap3A_696 = vector.shape_cast %swap3A_695 : vector<1x1x16xf32> to vector<16xf32>
        %swap3A_697 = vector.shape_cast %mul3A_690 : vector<16xf32> to vector<1x1x16xf32>
        tpu.vector_store %arg7[%swap3A_692, %swap3A_693, %swap3A_694], %swap3A_697 {strides = array<i32>} : memref<5x16x1024xf32, #tpu.memory_space<vmem>>, vector<1x1x16xf32>,
        %get3A_698 = arith.constant 1 : i32
        %get3A_699 = arith.index_cast %rem3A_136 : i32 to index
        %get3A_700 = arith.index_cast %get3A_698 : i32 to index
        %get3A_701 = arith.index_cast %mul3A_679 : i32 to index
        %get3A_702 = tpu.vector_load %arg7[%get3A_699, %get3A_700, %get3A_701] {strides = array<i32>} : memref<5x16x1024xf32, #tpu.memory_space<vmem>>, vector<1x1x16xf32>,
        %get3A_703 = vector.shape_cast %get3A_702 : vector<1x1x16xf32> to vector<16xf32>
        %mul3A_704 = arith.mulf %get3A_703, %gather3A_231 : vector<16xf32>
        %mul3A_705 = arith.mulf %mul3A_704, %get3A_682 : vector<16xf32>
        %swap3A_706 = arith.constant 1 : i32
        %swap3A_707 = arith.index_cast %rem3A_136 : i32 to index
        %swap3A_708 = arith.index_cast %swap3A_706 : i32 to index
        %swap3A_709 = arith.index_cast %mul3A_679 : i32 to index
        %swap3A_710 = tpu.vector_load %arg7[%swap3A_707, %swap3A_708, %swap3A_709] {strides = array<i32>} : memref<5x16x1024xf32, #tpu.memory_space<vmem>>, vector<1x1x16xf32>,
        %swap3A_711 = vector.shape_cast %swap3A_710 : vector<1x1x16xf32> to vector<16xf32>
        %swap3A_712 = vector.shape_cast %mul3A_705 : vector<16xf32> to vector<1x1x16xf32>
        tpu.vector_store %arg7[%swap3A_707, %swap3A_708, %swap3A_709], %swap3A_712 {strides = array<i32>} : memref<5x16x1024xf32, #tpu.memory_space<vmem>>, vector<1x1x16xf32>,
        %get3A_713 = arith.constant 2 : i32
        %get3A_714 = arith.index_cast %rem3A_136 : i32 to index
        %get3A_715 = arith.index_cast %get3A_713 : i32 to index
        %get3A_716 = arith.index_cast %mul3A_679 : i32 to index
        %get3A_717 = tpu.vector_load %arg7[%get3A_714, %get3A_715, %get3A_716] {strides = array<i32>} : memref<5x16x1024xf32, #tpu.memory_space<vmem>>, vector<1x1x16xf32>,
        %get3A_718 = vector.shape_cast %get3A_717 : vector<1x1x16xf32> to vector<16xf32>
        %mul3A_719 = arith.mulf %get3A_718, %gather3A_243 : vector<16xf32>
        %mul3A_720 = arith.mulf %mul3A_719, %get3A_682 : vector<16xf32>
        %swap3A_721 = arith.constant 2 : i32
        %swap3A_722 = arith.index_cast %rem3A_136 : i32 to index
        %swap3A_723 = arith.index_cast %swap3A_721 : i32 to index
        %swap3A_724 = arith.index_cast %mul3A_679 : i32 to index
        %swap3A_725 = tpu.vector_load %arg7[%swap3A_722, %swap3A_723, %swap3A_724] {strides = array<i32>} : memref<5x16x1024xf32, #tpu.memory_space<vmem>>, vector<1x1x16xf32>,
        %swap3A_726 = vector.shape_cast %swap3A_725 : vector<1x1x16xf32> to vector<16xf32>
        %swap3A_727 = vector.shape_cast %mul3A_720 : vector<16xf32> to vector<1x1x16xf32>
        tpu.vector_store %arg7[%swap3A_722, %swap3A_723, %swap3A_724], %swap3A_727 {strides = array<i32>} : memref<5x16x1024xf32, #tpu.memory_space<vmem>>, vector<1x1x16xf32>,
        %get3A_728 = arith.constant 3 : i32
        %get3A_729 = arith.index_cast %rem3A_136 : i32 to index
        %get3A_730 = arith.index_cast %get3A_728 : i32 to index
        %get3A_731 = arith.index_cast %mul3A_679 : i32 to index
        %get3A_732 = tpu.vector_load %arg7[%get3A_729, %get3A_730, %get3A_731] {strides = array<i32>} : memref<5x16x1024xf32, #tpu.memory_space<vmem>>, vector<1x1x16xf32>,
        %get3A_733 = vector.shape_cast %get3A_732 : vector<1x1x16xf32> to vector<16xf32>
        %mul3A_734 = arith.mulf %get3A_733, %gather3A_255 : vector<16xf32>
        %mul3A_735 = arith.mulf %mul3A_734, %get3A_682 : vector<16xf32>
        %swap3A_736 = arith.constant 3 : i32
        %swap3A_737 = arith.index_cast %rem3A_136 : i32 to index
        %swap3A_738 = arith.index_cast %swap3A_736 : i32 to index
        %swap3A_739 = arith.index_cast %mul3A_679 : i32 to index
        %swap3A_740 = tpu.vector_load %arg7[%swap3A_737, %swap3A_738, %swap3A_739] {strides = array<i32>} : memref<5x16x1024xf32, #tpu.memory_space<vmem>>, vector<1x1x16xf32>,
        %swap3A_741 = vector.shape_cast %swap3A_740 : vector<1x1x16xf32> to vector<16xf32>
        %swap3A_742 = vector.shape_cast %mul3A_735 : vector<16xf32> to vector<1x1x16xf32>
        tpu.vector_store %arg7[%swap3A_737, %swap3A_738, %swap3A_739], %swap3A_742 {strides = array<i32>} : memref<5x16x1024xf32, #tpu.memory_space<vmem>>, vector<1x1x16xf32>,
        %get3A_743 = arith.constant 4 : i32
        %get3A_744 = arith.index_cast %rem3A_136 : i32 to index
        %get3A_745 = arith.index_cast %get3A_743 : i32 to index
        %get3A_746 = arith.index_cast %mul3A_679 : i32 to index
        %get3A_747 = tpu.vector_load %arg7[%get3A_744, %get3A_745, %get3A_746] {strides = array<i32>} : memref<5x16x1024xf32, #tpu.memory_space<vmem>>, vector<1x1x16xf32>,
        %get3A_748 = vector.shape_cast %get3A_747 : vector<1x1x16xf32> to vector<16xf32>
        %mul3A_749 = arith.mulf %get3A_748, %gather3A_267 : vector<16xf32>
        %mul3A_750 = arith.mulf %mul3A_749, %get3A_682 : vector<16xf32>
        %swap3A_751 = arith.constant 4 : i32
        %swap3A_752 = arith.index_cast %rem3A_136 : i32 to index
        %swap3A_753 = arith.index_cast %swap3A_751 : i32 to index
        %swap3A_754 = arith.index_cast %mul3A_679 : i32 to index
        %swap3A_755 = tpu.vector_load %arg7[%swap3A_752, %swap3A_753, %swap3A_754] {strides = array<i32>} : memref<5x16x1024xf32, #tpu.memory_space<vmem>>, vector<1x1x16xf32>,
        %swap3A_756 = vector.shape_cast %swap3A_755 : vector<1x1x16xf32> to vector<16xf32>
        %swap3A_757 = vector.shape_cast %mul3A_750 : vector<16xf32> to vector<1x1x16xf32>
        tpu.vector_store %arg7[%swap3A_752, %swap3A_753, %swap3A_754], %swap3A_757 {strides = array<i32>} : memref<5x16x1024xf32, #tpu.memory_space<vmem>>, vector<1x1x16xf32>,
        %get3A_758 = arith.constant 5 : i32
        %get3A_759 = arith.index_cast %rem3A_136 : i32 to index
        %get3A_760 = arith.index_cast %get3A_758 : i32 to index
        %get3A_761 = arith.index_cast %mul3A_679 : i32 to index
        %get3A_762 = tpu.vector_load %arg7[%get3A_759, %get3A_760, %get3A_761] {strides = array<i32>} : memref<5x16x1024xf32, #tpu.memory_space<vmem>>, vector<1x1x16xf32>,
        %get3A_763 = vector.shape_cast %get3A_762 : vector<1x1x16xf32> to vector<16xf32>
        %mul3A_764 = arith.mulf %get3A_763, %gather3A_279 : vector<16xf32>
        %mul3A_765 = arith.mulf %mul3A_764, %get3A_682 : vector<16xf32>
        %swap3A_766 = arith.constant 5 : i32
        %swap3A_767 = arith.index_cast %rem3A_136 : i32 to index
        %swap3A_768 = arith.index_cast %swap3A_766 : i32 to index
        %swap3A_769 = arith.index_cast %mul3A_679 : i32 to index
        %swap3A_770 = tpu.vector_load %arg7[%swap3A_767, %swap3A_768, %swap3A_769] {strides = array<i32>} : memref<5x16x1024xf32, #tpu.memory_space<vmem>>, vector<1x1x16xf32>,
        %swap3A_771 = vector.shape_cast %swap3A_770 : vector<1x1x16xf32> to vector<16xf32>
        %swap3A_772 = vector.shape_cast %mul3A_765 : vector<16xf32> to vector<1x1x16xf32>
        tpu.vector_store %arg7[%swap3A_767, %swap3A_768, %swap3A_769], %swap3A_772 {strides = array<i32>} : memref<5x16x1024xf32, #tpu.memory_space<vmem>>, vector<1x1x16xf32>,
        %get3A_773 = arith.constant 6 : i32
        %get3A_774 = arith.index_cast %rem3A_136 : i32 to index
        %get3A_775 = arith.index_cast %get3A_773 : i32 to index
        %get3A_776 = arith.index_cast %mul3A_679 : i32 to index
        %get3A_777 = tpu.vector_load %arg7[%get3A_774, %get3A_775, %get3A_776] {strides = array<i32>} : memref<5x16x1024xf32, #tpu.memory_space<vmem>>, vector<1x1x16xf32>,
        %get3A_778 = vector.shape_cast %get3A_777 : vector<1x1x16xf32> to vector<16xf32>
        %mul3A_779 = arith.mulf %get3A_778, %gather3A_291 : vector<16xf32>
        %mul3A_780 = arith.mulf %mul3A_779, %get3A_682 : vector<16xf32>
        %swap3A_781 = arith.constant 6 : i32
        %swap3A_782 = arith.index_cast %rem3A_136 : i32 to index
        %swap3A_783 = arith.index_cast %swap3A_781 : i32 to index
        %swap3A_784 = arith.index_cast %mul3A_679 : i32 to index
        %swap3A_785 = tpu.vector_load %arg7[%swap3A_782, %swap3A_783, %swap3A_784] {strides = array<i32>} : memref<5x16x1024xf32, #tpu.memory_space<vmem>>, vector<1x1x16xf32>,
        %swap3A_786 = vector.shape_cast %swap3A_785 : vector<1x1x16xf32> to vector<16xf32>
        %swap3A_787 = vector.shape_cast %mul3A_780 : vector<16xf32> to vector<1x1x16xf32>
        tpu.vector_store %arg7[%swap3A_782, %swap3A_783, %swap3A_784], %swap3A_787 {strides = array<i32>} : memref<5x16x1024xf32, #tpu.memory_space<vmem>>, vector<1x1x16xf32>,
        %get3A_788 = arith.constant 7 : i32
        %get3A_789 = arith.index_cast %rem3A_136 : i32 to index
        %get3A_790 = arith.index_cast %get3A_788 : i32 to index
        %get3A_791 = arith.index_cast %mul3A_679 : i32 to index
        %get3A_792 = tpu.vector_load %arg7[%get3A_789, %get3A_790, %get3A_791] {strides = array<i32>} : memref<5x16x1024xf32, #tpu.memory_space<vmem>>, vector<1x1x16xf32>,
        %get3A_793 = vector.shape_cast %get3A_792 : vector<1x1x16xf32> to vector<16xf32>
        %mul3A_794 = arith.mulf %get3A_793, %gather3A_303 : vector<16xf32>
        %mul3A_795 = arith.mulf %mul3A_794, %get3A_682 : vector<16xf32>
        %swap3A_796 = arith.constant 7 : i32
        %swap3A_797 = arith.index_cast %rem3A_136 : i32 to index
        %swap3A_798 = arith.index_cast %swap3A_796 : i32 to index
        %swap3A_799 = arith.index_cast %mul3A_679 : i32 to index
        %swap3A_800 = tpu.vector_load %arg7[%swap3A_797, %swap3A_798, %swap3A_799] {strides = array<i32>} : memref<5x16x1024xf32, #tpu.memory_space<vmem>>, vector<1x1x16xf32>,
        %swap3A_801 = vector.shape_cast %swap3A_800 : vector<1x1x16xf32> to vector<16xf32>
        %swap3A_802 = vector.shape_cast %mul3A_795 : vector<16xf32> to vector<1x1x16xf32>
        tpu.vector_store %arg7[%swap3A_797, %swap3A_798, %swap3A_799], %swap3A_802 {strides = array<i32>} : memref<5x16x1024xf32, #tpu.memory_space<vmem>>, vector<1x1x16xf32>,
        %get3A_803 = arith.constant 8 : i32
        %get3A_804 = arith.index_cast %rem3A_136 : i32 to index
        %get3A_805 = arith.index_cast %get3A_803 : i32 to index
        %get3A_806 = arith.index_cast %mul3A_679 : i32 to index
        %get3A_807 = tpu.vector_load %arg7[%get3A_804, %get3A_805, %get3A_806] {strides = array<i32>} : memref<5x16x1024xf32, #tpu.memory_space<vmem>>, vector<1x1x16xf32>,
        %get3A_808 = vector.shape_cast %get3A_807 : vector<1x1x16xf32> to vector<16xf32>
        %mul3A_809 = arith.mulf %get3A_808, %gather3A_315 : vector<16xf32>
        %mul3A_810 = arith.mulf %mul3A_809, %get3A_682 : vector<16xf32>
        %swap3A_811 = arith.constant 8 : i32
        %swap3A_812 = arith.index_cast %rem3A_136 : i32 to index
        %swap3A_813 = arith.index_cast %swap3A_811 : i32 to index
        %swap3A_814 = arith.index_cast %mul3A_679 : i32 to index
        %swap3A_815 = tpu.vector_load %arg7[%swap3A_812, %swap3A_813, %swap3A_814] {strides = array<i32>} : memref<5x16x1024xf32, #tpu.memory_space<vmem>>, vector<1x1x16xf32>,
        %swap3A_816 = vector.shape_cast %swap3A_815 : vector<1x1x16xf32> to vector<16xf32>
        %swap3A_817 = vector.shape_cast %mul3A_810 : vector<16xf32> to vector<1x1x16xf32>
        tpu.vector_store %arg7[%swap3A_812, %swap3A_813, %swap3A_814], %swap3A_817 {strides = array<i32>} : memref<5x16x1024xf32, #tpu.memory_space<vmem>>, vector<1x1x16xf32>,
        %get3A_818 = arith.constant 9 : i32
        %get3A_819 = arith.index_cast %rem3A_136 : i32 to index
        %get3A_820 = arith.index_cast %get3A_818 : i32 to index
        %get3A_821 = arith.index_cast %mul3A_679 : i32 to index
        %get3A_822 = tpu.vector_load %arg7[%get3A_819, %get3A_820, %get3A_821] {strides = array<i32>} : memref<5x16x1024xf32, #tpu.memory_space<vmem>>, vector<1x1x16xf32>,
        %get3A_823 = vector.shape_cast %get3A_822 : vector<1x1x16xf32> to vector<16xf32>
        %mul3A_824 = arith.mulf %get3A_823, %gather3A_327 : vector<16xf32>
        %mul3A_825 = arith.mulf %mul3A_824, %get3A_682 : vector<16xf32>
        %swap3A_826 = arith.constant 9 : i32
        %swap3A_827 = arith.index_cast %rem3A_136 : i32 to index
        %swap3A_828 = arith.index_cast %swap3A_826 : i32 to index
        %swap3A_829 = arith.index_cast %mul3A_679 : i32 to index
        %swap3A_830 = tpu.vector_load %arg7[%swap3A_827, %swap3A_828, %swap3A_829] {strides = array<i32>} : memref<5x16x1024xf32, #tpu.memory_space<vmem>>, vector<1x1x16xf32>,
        %swap3A_831 = vector.shape_cast %swap3A_830 : vector<1x1x16xf32> to vector<16xf32>
        %swap3A_832 = vector.shape_cast %mul3A_825 : vector<16xf32> to vector<1x1x16xf32>
        tpu.vector_store %arg7[%swap3A_827, %swap3A_828, %swap3A_829], %swap3A_832 {strides = array<i32>} : memref<5x16x1024xf32, #tpu.memory_space<vmem>>, vector<1x1x16xf32>,
        %get3A_833 = arith.constant 10 : i32
        %get3A_834 = arith.index_cast %rem3A_136 : i32 to index
        %get3A_835 = arith.index_cast %get3A_833 : i32 to index
        %get3A_836 = arith.index_cast %mul3A_679 : i32 to index
        %get3A_837 = tpu.vector_load %arg7[%get3A_834, %get3A_835, %get3A_836] {strides = array<i32>} : memref<5x16x1024xf32, #tpu.memory_space<vmem>>, vector<1x1x16xf32>,
        %get3A_838 = vector.shape_cast %get3A_837 : vector<1x1x16xf32> to vector<16xf32>
        %mul3A_839 = arith.mulf %get3A_838, %gather3A_339 : vector<16xf32>
        %mul3A_840 = arith.mulf %mul3A_839, %get3A_682 : vector<16xf32>
        %swap3A_841 = arith.constant 10 : i32
        %swap3A_842 = arith.index_cast %rem3A_136 : i32 to index
        %swap3A_843 = arith.index_cast %swap3A_841 : i32 to index
        %swap3A_844 = arith.index_cast %mul3A_679 : i32 to index
        %swap3A_845 = tpu.vector_load %arg7[%swap3A_842, %swap3A_843, %swap3A_844] {strides = array<i32>} : memref<5x16x1024xf32, #tpu.memory_space<vmem>>, vector<1x1x16xf32>,
        %swap3A_846 = vector.shape_cast %swap3A_845 : vector<1x1x16xf32> to vector<16xf32>
        %swap3A_847 = vector.shape_cast %mul3A_840 : vector<16xf32> to vector<1x1x16xf32>
        tpu.vector_store %arg7[%swap3A_842, %swap3A_843, %swap3A_844], %swap3A_847 {strides = array<i32>} : memref<5x16x1024xf32, #tpu.memory_space<vmem>>, vector<1x1x16xf32>,
        %get3A_848 = arith.constant 11 : i32
        %get3A_849 = arith.index_cast %rem3A_136 : i32 to index
        %get3A_850 = arith.index_cast %get3A_848 : i32 to index
        %get3A_851 = arith.index_cast %mul3A_679 : i32 to index
        %get3A_852 = tpu.vector_load %arg7[%get3A_849, %get3A_850, %get3A_851] {strides = array<i32>} : memref<5x16x1024xf32, #tpu.memory_space<vmem>>, vector<1x1x16xf32>,
        %get3A_853 = vector.shape_cast %get3A_852 : vector<1x1x16xf32> to vector<16xf32>
        %mul3A_854 = arith.mulf %get3A_853, %gather3A_351 : vector<16xf32>
        %mul3A_855 = arith.mulf %mul3A_854, %get3A_682 : vector<16xf32>
        %swap3A_856 = arith.constant 11 : i32
        %swap3A_857 = arith.index_cast %rem3A_136 : i32 to index
        %swap3A_858 = arith.index_cast %swap3A_856 : i32 to index
        %swap3A_859 = arith.index_cast %mul3A_679 : i32 to index
        %swap3A_860 = tpu.vector_load %arg7[%swap3A_857, %swap3A_858, %swap3A_859] {strides = array<i32>} : memref<5x16x1024xf32, #tpu.memory_space<vmem>>, vector<1x1x16xf32>,
        %swap3A_861 = vector.shape_cast %swap3A_860 : vector<1x1x16xf32> to vector<16xf32>
        %swap3A_862 = vector.shape_cast %mul3A_855 : vector<16xf32> to vector<1x1x16xf32>
        tpu.vector_store %arg7[%swap3A_857, %swap3A_858, %swap3A_859], %swap3A_862 {strides = array<i32>} : memref<5x16x1024xf32, #tpu.memory_space<vmem>>, vector<1x1x16xf32>,
        %get3A_863 = arith.constant 12 : i32
        %get3A_864 = arith.index_cast %rem3A_136 : i32 to index
        %get3A_865 = arith.index_cast %get3A_863 : i32 to index
        %get3A_866 = arith.index_cast %mul3A_679 : i32 to index
        %get3A_867 = tpu.vector_load %arg7[%get3A_864, %get3A_865, %get3A_866] {strides = array<i32>} : memref<5x16x1024xf32, #tpu.memory_space<vmem>>, vector<1x1x16xf32>,
        %get3A_868 = vector.shape_cast %get3A_867 : vector<1x1x16xf32> to vector<16xf32>
        %mul3A_869 = arith.mulf %get3A_868, %gather3A_363 : vector<16xf32>
        %mul3A_870 = arith.mulf %mul3A_869, %get3A_682 : vector<16xf32>
        %swap3A_871 = arith.constant 12 : i32
        %swap3A_872 = arith.index_cast %rem3A_136 : i32 to index
        %swap3A_873 = arith.index_cast %swap3A_871 : i32 to index
        %swap3A_874 = arith.index_cast %mul3A_679 : i32 to index
        %swap3A_875 = tpu.vector_load %arg7[%swap3A_872, %swap3A_873, %swap3A_874] {strides = array<i32>} : memref<5x16x1024xf32, #tpu.memory_space<vmem>>, vector<1x1x16xf32>,
        %swap3A_876 = vector.shape_cast %swap3A_875 : vector<1x1x16xf32> to vector<16xf32>
        %swap3A_877 = vector.shape_cast %mul3A_870 : vector<16xf32> to vector<1x1x16xf32>
        tpu.vector_store %arg7[%swap3A_872, %swap3A_873, %swap3A_874], %swap3A_877 {strides = array<i32>} : memref<5x16x1024xf32, #tpu.memory_space<vmem>>, vector<1x1x16xf32>,
        %get3A_878 = arith.constant 13 : i32
        %get3A_879 = arith.index_cast %rem3A_136 : i32 to index
        %get3A_880 = arith.index_cast %get3A_878 : i32 to index
        %get3A_881 = arith.index_cast %mul3A_679 : i32 to index
        %get3A_882 = tpu.vector_load %arg7[%get3A_879, %get3A_880, %get3A_881] {strides = array<i32>} : memref<5x16x1024xf32, #tpu.memory_space<vmem>>, vector<1x1x16xf32>,
        %get3A_883 = vector.shape_cast %get3A_882 : vector<1x1x16xf32> to vector<16xf32>
        %mul3A_884 = arith.mulf %get3A_883, %gather3A_375 : vector<16xf32>
        %mul3A_885 = arith.mulf %mul3A_884, %get3A_682 : vector<16xf32>
        %swap3A_886 = arith.constant 13 : i32
        %swap3A_887 = arith.index_cast %rem3A_136 : i32 to index
        %swap3A_888 = arith.index_cast %swap3A_886 : i32 to index
        %swap3A_889 = arith.index_cast %mul3A_679 : i32 to index
        %swap3A_890 = tpu.vector_load %arg7[%swap3A_887, %swap3A_888, %swap3A_889] {strides = array<i32>} : memref<5x16x1024xf32, #tpu.memory_space<vmem>>, vector<1x1x16xf32>,
        %swap3A_891 = vector.shape_cast %swap3A_890 : vector<1x1x16xf32> to vector<16xf32>
        %swap3A_892 = vector.shape_cast %mul3A_885 : vector<16xf32> to vector<1x1x16xf32>
        tpu.vector_store %arg7[%swap3A_887, %swap3A_888, %swap3A_889], %swap3A_892 {strides = array<i32>} : memref<5x16x1024xf32, #tpu.memory_space<vmem>>, vector<1x1x16xf32>,
        %get3A_893 = arith.constant 14 : i32
        %get3A_894 = arith.index_cast %rem3A_136 : i32 to index
        %get3A_895 = arith.index_cast %get3A_893 : i32 to index
        %get3A_896 = arith.index_cast %mul3A_679 : i32 to index
        %get3A_897 = tpu.vector_load %arg7[%get3A_894, %get3A_895, %get3A_896] {strides = array<i32>} : memref<5x16x1024xf32, #tpu.memory_space<vmem>>, vector<1x1x16xf32>,
        %get3A_898 = vector.shape_cast %get3A_897 : vector<1x1x16xf32> to vector<16xf32>
        %mul3A_899 = arith.mulf %get3A_898, %gather3A_387 : vector<16xf32>
        %mul3A_900 = arith.mulf %mul3A_899, %get3A_682 : vector<16xf32>
        %swap3A_901 = arith.constant 14 : i32
        %swap3A_902 = arith.index_cast %rem3A_136 : i32 to index
        %swap3A_903 = arith.index_cast %swap3A_901 : i32 to index
        %swap3A_904 = arith.index_cast %mul3A_679 : i32 to index
        %swap3A_905 = tpu.vector_load %arg7[%swap3A_902, %swap3A_903, %swap3A_904] {strides = array<i32>} : memref<5x16x1024xf32, #tpu.memory_space<vmem>>, vector<1x1x16xf32>,
        %swap3A_906 = vector.shape_cast %swap3A_905 : vector<1x1x16xf32> to vector<16xf32>
        %swap3A_907 = vector.shape_cast %mul3A_900 : vector<16xf32> to vector<1x1x16xf32>
        tpu.vector_store %arg7[%swap3A_902, %swap3A_903, %swap3A_904], %swap3A_907 {strides = array<i32>} : memref<5x16x1024xf32, #tpu.memory_space<vmem>>, vector<1x1x16xf32>,
        %get3A_908 = arith.constant 15 : i32
        %get3A_909 = arith.index_cast %rem3A_136 : i32 to index
        %get3A_910 = arith.index_cast %get3A_908 : i32 to index
        %get3A_911 = arith.index_cast %mul3A_679 : i32 to index
        %get3A_912 = tpu.vector_load %arg7[%get3A_909, %get3A_910, %get3A_911] {strides = array<i32>} : memref<5x16x1024xf32, #tpu.memory_space<vmem>>, vector<1x1x16xf32>,
        %get3A_913 = vector.shape_cast %get3A_912 : vector<1x1x16xf32> to vector<16xf32>
        %mul3A_914 = arith.mulf %get3A_913, %gather3A_399 : vector<16xf32>
        %mul3A_915 = arith.mulf %mul3A_914, %get3A_682 : vector<16xf32>
        %swap3A_916 = arith.constant 15 : i32
        %swap3A_917 = arith.index_cast %rem3A_136 : i32 to index
        %swap3A_918 = arith.index_cast %swap3A_916 : i32 to index
        %swap3A_919 = arith.index_cast %mul3A_679 : i32 to index
        %swap3A_920 = tpu.vector_load %arg7[%swap3A_917, %swap3A_918, %swap3A_919] {strides = array<i32>} : memref<5x16x1024xf32, #tpu.memory_space<vmem>>, vector<1x1x16xf32>,
        %swap3A_921 = vector.shape_cast %swap3A_920 : vector<1x1x16xf32> to vector<16xf32>
        %swap3A_922 = vector.shape_cast %mul3A_915 : vector<16xf32> to vector<1x1x16xf32>
        tpu.vector_store %arg7[%swap3A_917, %swap3A_918, %swap3A_919], %swap3A_922 {strides = array<i32>} : memref<5x16x1024xf32, #tpu.memory_space<vmem>>, vector<1x1x16xf32>,
        %scan3A_923 = arith.constant 0 : i32
        scf.yield %scan3A_923 : i32
      }
      %scan3A_406 = arith.constant 32 : i32
      %mul3A_407 = arith.constant 16 : i32
      %mul3A_408 = arith.muli %scan3A_133, %mul3A_407 : i32
      %add3A_409 = arith.addi %mul3A_2, %mul3A_408 : i32
      %dma_start3A_410 = arith.constant 0 : i32
      %dma_start3A_411 = arith.constant 0 : i32
      %dma_start3A_412 = tpu.memref_slice %arg7[%rem3A_136, %dma_start3A_410, %dma_start3A_411] : memref<5x16x1024xf32, #tpu.memory_space<vmem>> -> memref<1x16x1024xf32, #tpu.memory_space<vmem>>
      %dma_start3A_413 = tpu.memref_squeeze %dma_start3A_412 : memref<1x16x1024xf32, #tpu.memory_space<vmem>> -> memref<16x1024xf32, #tpu.memory_space<vmem>>
      %dma_start3A_414 = arith.constant 0 : i32
      %dma_start3A_415 = tpu.memref_slice %arg5[%add3A_409, %dma_start3A_414] : memref<16384x1024xf32, #tpu.memory_space<hbm>> -> memref<16x1024xf32, #tpu.memory_space<hbm>>
      %dma_start3A_416 = tpu.memref_slice %arg10[%rem3A_136] : memref<5x!tpu.dma_semaphore, #tpu.memory_space<semaphore_mem>> -> memref<1x!tpu.dma_semaphore, #tpu.memory_space<semaphore_mem>>
      %dma_start3A_417 = tpu.memref_squeeze %dma_start3A_416 : memref<1x!tpu.dma_semaphore, #tpu.memory_space<semaphore_mem>> -> memref<!tpu.dma_semaphore, #tpu.memory_space<semaphore_mem>>
      %dma_start3A_418 = arith.constant 0 : i32
      %dma_start3A_419 = tpu.memref_slice %arg5[%add3A_409, %dma_start3A_418] : memref<16384x1024xf32, #tpu.memory_space<hbm>> -> memref<16x1024xf32, #tpu.memory_space<hbm>>
      %dma_start3A_420 = arith.constant 0 : i32
      %dma_start3A_421 = arith.constant 0 : i32
      %dma_start3A_422 = tpu.memref_slice %arg7[%rem3A_136, %dma_start3A_420, %dma_start3A_421] : memref<5x16x1024xf32, #tpu.memory_space<vmem>> -> memref<1x16x1024xf32, #tpu.memory_space<vmem>>
      %dma_start3A_423 = tpu.memref_squeeze %dma_start3A_422 : memref<1x16x1024xf32, #tpu.memory_space<vmem>> -> memref<16x1024xf32, #tpu.memory_space<vmem>>
      tpu.enqueue_dma source(%dma_start3A_423 : memref<16x1024xf32, #tpu.memory_space<vmem>>) target(%dma_start3A_419 : memref<16x1024xf32, #tpu.memory_space<hbm>>) target_semaphore(%dma_start3A_417 : memref<!tpu.dma_semaphore, #tpu.memory_space<semaphore_mem>>)
      %scan3A_424 = arith.constant 0 : i32
      scf.yield %scan3A_424 : i32
    }
    %scan3A_39 = arith.constant 32 : i32
    %rem3A = arith.constant 27 : i32
    %rem3A_40 = arith.constant 5 : i32
    %rem3A_41 = arith.remsi %rem3A, %rem3A_40 : i32
    %add3A_42 = arith.constant 432 : i32
    %add3A_43 = arith.addi %mul3A_2, %add3A_42 : i32
    %dma_wait3A = arith.constant 0 : i32
    %dma_wait3A_44 = arith.constant 0 : i32
    %dma_wait3A_45 = tpu.memref_slice %arg7[%rem3A_41, %dma_wait3A, %dma_wait3A_44] : memref<5x16x1024xf32, #tpu.memory_space<vmem>> -> memref<1x16x1024xf32, #tpu.memory_space<vmem>>
    %dma_wait3A_46 = tpu.memref_squeeze %dma_wait3A_45 : memref<1x16x1024xf32, #tpu.memory_space<vmem>> -> memref<16x1024xf32, #tpu.memory_space<vmem>>
    %dma_wait3A_47 = arith.constant 0 : i32
    %dma_wait3A_48 = tpu.memref_slice %arg5[%add3A_43, %dma_wait3A_47] : memref<16384x1024xf32, #tpu.memory_space<hbm>> -> memref<16x1024xf32, #tpu.memory_space<hbm>>
    %dma_wait3A_49 = tpu.memref_slice %arg10[%rem3A_41] : memref<5x!tpu.dma_semaphore, #tpu.memory_space<semaphore_mem>> -> memref<1x!tpu.dma_semaphore, #tpu.memory_space<semaphore_mem>>
    %dma_wait3A_50 = tpu.memref_squeeze %dma_wait3A_49 : memref<1x!tpu.dma_semaphore, #tpu.memory_space<semaphore_mem>> -> memref<!tpu.dma_semaphore, #tpu.memory_space<semaphore_mem>>
    %dma_wait3A_51 = arith.constant 0 : i32
    %dma_wait3A_52 = tpu.memref_slice %arg5[%add3A_43, %dma_wait3A_51] : memref<16384x1024xf32, #tpu.memory_space<hbm>> -> memref<16x1024xf32, #tpu.memory_space<hbm>>
    %dma_wait3A_53 = arith.constant 0 : i32
    %dma_wait3A_54 = arith.constant 0 : i32
    %dma_wait3A_55 = tpu.memref_slice %arg7[%rem3A_41, %dma_wait3A_53, %dma_wait3A_54] : memref<5x16x1024xf32, #tpu.memory_space<vmem>> -> memref<1x16x1024xf32, #tpu.memory_space<vmem>>
    %dma_wait3A_56 = tpu.memref_squeeze %dma_wait3A_55 : memref<1x16x1024xf32, #tpu.memory_space<vmem>> -> memref<16x1024xf32, #tpu.memory_space<vmem>>
    tpu.wait_dma2 semaphore(%dma_wait3A_50 : memref<!tpu.dma_semaphore, #tpu.memory_space<semaphore_mem>>) src(%dma_wait3A_56 : memref<16x1024xf32, #tpu.memory_space<vmem>>) dst(%dma_wait3A_52 : memref<16x1024xf32, #tpu.memory_space<hbm>>)
    %rem3A_57 = arith.constant 28 : i32
    %rem3A_58 = arith.constant 5 : i32
    %rem3A_59 = arith.remsi %rem3A_57, %rem3A_58 : i32
    %add3A_60 = arith.constant 448 : i32
    %add3A_61 = arith.addi %mul3A_2, %add3A_60 : i32
    %dma_wait3A_62 = arith.constant 0 : i32
    %dma_wait3A_63 = arith.constant 0 : i32
    %dma_wait3A_64 = tpu.memref_slice %arg7[%rem3A_59, %dma_wait3A_62, %dma_wait3A_63] : memref<5x16x1024xf32, #tpu.memory_space<vmem>> -> memref<1x16x1024xf32, #tpu.memory_space<vmem>>
    %dma_wait3A_65 = tpu.memref_squeeze %dma_wait3A_64 : memref<1x16x1024xf32, #tpu.memory_space<vmem>> -> memref<16x1024xf32, #tpu.memory_space<vmem>>
    %dma_wait3A_66 = arith.constant 0 : i32
    %dma_wait3A_67 = tpu.memref_slice %arg5[%add3A_61, %dma_wait3A_66] : memref<16384x1024xf32, #tpu.memory_space<hbm>> -> memref<16x1024xf32, #tpu.memory_space<hbm>>
    %dma_wait3A_68 = tpu.memref_slice %arg10[%rem3A_59] : memref<5x!tpu.dma_semaphore, #tpu.memory_space<semaphore_mem>> -> memref<1x!tpu.dma_semaphore, #tpu.memory_space<semaphore_mem>>
    %dma_wait3A_69 = tpu.memref_squeeze %dma_wait3A_68 : memref<1x!tpu.dma_semaphore, #tpu.memory_space<semaphore_mem>> -> memref<!tpu.dma_semaphore, #tpu.memory_space<semaphore_mem>>
    %dma_wait3A_70 = arith.constant 0 : i32
    %dma_wait3A_71 = tpu.memref_slice %arg5[%add3A_61, %dma_wait3A_70] : memref<16384x1024xf32, #tpu.memory_space<hbm>> -> memref<16x1024xf32, #tpu.memory_space<hbm>>
    %dma_wait3A_72 = arith.constant 0 : i32
    %dma_wait3A_73 = arith.constant 0 : i32
    %dma_wait3A_74 = tpu.memref_slice %arg7[%rem3A_59, %dma_wait3A_72, %dma_wait3A_73] : memref<5x16x1024xf32, #tpu.memory_space<vmem>> -> memref<1x16x1024xf32, #tpu.memory_space<vmem>>
    %dma_wait3A_75 = tpu.memref_squeeze %dma_wait3A_74 : memref<1x16x1024xf32, #tpu.memory_space<vmem>> -> memref<16x1024xf32, #tpu.memory_space<vmem>>
    tpu.wait_dma2 semaphore(%dma_wait3A_69 : memref<!tpu.dma_semaphore, #tpu.memory_space<semaphore_mem>>) src(%dma_wait3A_75 : memref<16x1024xf32, #tpu.memory_space<vmem>>) dst(%dma_wait3A_71 : memref<16x1024xf32, #tpu.memory_space<hbm>>)
    %rem3A_76 = arith.constant 29 : i32
    %rem3A_77 = arith.constant 5 : i32
    %rem3A_78 = arith.remsi %rem3A_76, %rem3A_77 : i32
    %add3A_79 = arith.constant 464 : i32
    %add3A_80 = arith.addi %mul3A_2, %add3A_79 : i32
    %dma_wait3A_81 = arith.constant 0 : i32
    %dma_wait3A_82 = arith.constant 0 : i32
    %dma_wait3A_83 = tpu.memref_slice %arg7[%rem3A_78, %dma_wait3A_81, %dma_wait3A_82] : memref<5x16x1024xf32, #tpu.memory_space<vmem>> -> memref<1x16x1024xf32, #tpu.memory_space<vmem>>
    %dma_wait3A_84 = tpu.memref_squeeze %dma_wait3A_83 : memref<1x16x1024xf32, #tpu.memory_space<vmem>> -> memref<16x1024xf32, #tpu.memory_space<vmem>>
    %dma_wait3A_85 = arith.constant 0 : i32
    %dma_wait3A_86 = tpu.memref_slice %arg5[%add3A_80, %dma_wait3A_85] : memref<16384x1024xf32, #tpu.memory_space<hbm>> -> memref<16x1024xf32, #tpu.memory_space<hbm>>
    %dma_wait3A_87 = tpu.memref_slice %arg10[%rem3A_78] : memref<5x!tpu.dma_semaphore, #tpu.memory_space<semaphore_mem>> -> memref<1x!tpu.dma_semaphore, #tpu.memory_space<semaphore_mem>>
    %dma_wait3A_88 = tpu.memref_squeeze %dma_wait3A_87 : memref<1x!tpu.dma_semaphore, #tpu.memory_space<semaphore_mem>> -> memref<!tpu.dma_semaphore, #tpu.memory_space<semaphore_mem>>
    %dma_wait3A_89 = arith.constant 0 : i32
    %dma_wait3A_90 = tpu.memref_slice %arg5[%add3A_80, %dma_wait3A_89] : memref<16384x1024xf32, #tpu.memory_space<hbm>> -> memref<16x1024xf32, #tpu.memory_space<hbm>>
    %dma_wait3A_91 = arith.constant 0 : i32
    %dma_wait3A_92 = arith.constant 0 : i32
    %dma_wait3A_93 = tpu.memref_slice %arg7[%rem3A_78, %dma_wait3A_91, %dma_wait3A_92] : memref<5x16x1024xf32, #tpu.memory_space<vmem>> -> memref<1x16x1024xf32, #tpu.memory_space<vmem>>
    %dma_wait3A_94 = tpu.memref_squeeze %dma_wait3A_93 : memref<1x16x1024xf32, #tpu.memory_space<vmem>> -> memref<16x1024xf32, #tpu.memory_space<vmem>>
    tpu.wait_dma2 semaphore(%dma_wait3A_88 : memref<!tpu.dma_semaphore, #tpu.memory_space<semaphore_mem>>) src(%dma_wait3A_94 : memref<16x1024xf32, #tpu.memory_space<vmem>>) dst(%dma_wait3A_90 : memref<16x1024xf32, #tpu.memory_space<hbm>>)
    %rem3A_95 = arith.constant 30 : i32
    %rem3A_96 = arith.constant 5 : i32
    %rem3A_97 = arith.remsi %rem3A_95, %rem3A_96 : i32
    %add3A_98 = arith.constant 480 : i32
    %add3A_99 = arith.addi %mul3A_2, %add3A_98 : i32
    %dma_wait3A_100 = arith.constant 0 : i32
    %dma_wait3A_101 = arith.constant 0 : i32
    %dma_wait3A_102 = tpu.memref_slice %arg7[%rem3A_97, %dma_wait3A_100, %dma_wait3A_101] : memref<5x16x1024xf32, #tpu.memory_space<vmem>> -> memref<1x16x1024xf32, #tpu.memory_space<vmem>>
    %dma_wait3A_103 = tpu.memref_squeeze %dma_wait3A_102 : memref<1x16x1024xf32, #tpu.memory_space<vmem>> -> memref<16x1024xf32, #tpu.memory_space<vmem>>
    %dma_wait3A_104 = arith.constant 0 : i32
    %dma_wait3A_105 = tpu.memref_slice %arg5[%add3A_99, %dma_wait3A_104] : memref<16384x1024xf32, #tpu.memory_space<hbm>> -> memref<16x1024xf32, #tpu.memory_space<hbm>>
    %dma_wait3A_106 = tpu.memref_slice %arg10[%rem3A_97] : memref<5x!tpu.dma_semaphore, #tpu.memory_space<semaphore_mem>> -> memref<1x!tpu.dma_semaphore, #tpu.memory_space<semaphore_mem>>
    %dma_wait3A_107 = tpu.memref_squeeze %dma_wait3A_106 : memref<1x!tpu.dma_semaphore, #tpu.memory_space<semaphore_mem>> -> memref<!tpu.dma_semaphore, #tpu.memory_space<semaphore_mem>>
    %dma_wait3A_108 = arith.constant 0 : i32
    %dma_wait3A_109 = tpu.memref_slice %arg5[%add3A_99, %dma_wait3A_108] : memref<16384x1024xf32, #tpu.memory_space<hbm>> -> memref<16x1024xf32, #tpu.memory_space<hbm>>
    %dma_wait3A_110 = arith.constant 0 : i32
    %dma_wait3A_111 = arith.constant 0 : i32
    %dma_wait3A_112 = tpu.memref_slice %arg7[%rem3A_97, %dma_wait3A_110, %dma_wait3A_111] : memref<5x16x1024xf32, #tpu.memory_space<vmem>> -> memref<1x16x1024xf32, #tpu.memory_space<vmem>>
    %dma_wait3A_113 = tpu.memref_squeeze %dma_wait3A_112 : memref<1x16x1024xf32, #tpu.memory_space<vmem>> -> memref<16x1024xf32, #tpu.memory_space<vmem>>
    tpu.wait_dma2 semaphore(%dma_wait3A_107 : memref<!tpu.dma_semaphore, #tpu.memory_space<semaphore_mem>>) src(%dma_wait3A_113 : memref<16x1024xf32, #tpu.memory_space<vmem>>) dst(%dma_wait3A_109 : memref<16x1024xf32, #tpu.memory_space<hbm>>)
    %rem3A_114 = arith.constant 31 : i32
    %rem3A_115 = arith.constant 5 : i32
    %rem3A_116 = arith.remsi %rem3A_114, %rem3A_115 : i32
    %add3A_117 = arith.constant 496 : i32
    %add3A_118 = arith.addi %mul3A_2, %add3A_117 : i32
    %dma_wait3A_119 = arith.constant 0 : i32
    %dma_wait3A_120 = arith.constant 0 : i32
    %dma_wait3A_121 = tpu.memref_slice %arg7[%rem3A_116, %dma_wait3A_119, %dma_wait3A_120] : memref<5x16x1024xf32, #tpu.memory_space<vmem>> -> memref<1x16x1024xf32, #tpu.memory_space<vmem>>
    %dma_wait3A_122 = tpu.memref_squeeze %dma_wait3A_121 : memref<1x16x1024xf32, #tpu.memory_space<vmem>> -> memref<16x1024xf32, #tpu.memory_space<vmem>>
    %dma_wait3A_123 = arith.constant 0 : i32
    %dma_wait3A_124 = tpu.memref_slice %arg5[%add3A_118, %dma_wait3A_123] : memref<16384x1024xf32, #tpu.memory_space<hbm>> -> memref<16x1024xf32, #tpu.memory_space<hbm>>
    %dma_wait3A_125 = tpu.memref_slice %arg10[%rem3A_116] : memref<5x!tpu.dma_semaphore, #tpu.memory_space<semaphore_mem>> -> memref<1x!tpu.dma_semaphore, #tpu.memory_space<semaphore_mem>>
    %dma_wait3A_126 = tpu.memref_squeeze %dma_wait3A_125 : memref<1x!tpu.dma_semaphore, #tpu.memory_space<semaphore_mem>> -> memref<!tpu.dma_semaphore, #tpu.memory_space<semaphore_mem>>
    %dma_wait3A_127 = arith.constant 0 : i32
    %dma_wait3A_128 = tpu.memref_slice %arg5[%add3A_118, %dma_wait3A_127] : memref<16384x1024xf32, #tpu.memory_space<hbm>> -> memref<16x1024xf32, #tpu.memory_space<hbm>>
    %dma_wait3A_129 = arith.constant 0 : i32
    %dma_wait3A_130 = arith.constant 0 : i32
    %dma_wait3A_131 = tpu.memref_slice %arg7[%rem3A_116, %dma_wait3A_129, %dma_wait3A_130] : memref<5x16x1024xf32, #tpu.memory_space<vmem>> -> memref<1x16x1024xf32, #tpu.memory_space<vmem>>
    %dma_wait3A_132 = tpu.memref_squeeze %dma_wait3A_131 : memref<1x16x1024xf32, #tpu.memory_space<vmem>> -> memref<16x1024xf32, #tpu.memory_space<vmem>>
    tpu.wait_dma2 semaphore(%dma_wait3A_126 : memref<!tpu.dma_semaphore, #tpu.memory_space<semaphore_mem>>) src(%dma_wait3A_132 : memref<16x1024xf32, #tpu.memory_space<vmem>>) dst(%dma_wait3A_128 : memref<16x1024xf32, #tpu.memory_space<hbm>>)
    return
  }
}

</mosaic_0001>

<sc_bundles>
// kernel: kernel.3.cloned.1.call-start
scs
__scs_entry_jumppad:
0x0: {  	(pc) =	sbr.rel $0x88, $3  }
0x1: {  	(tag) =	ssettag $0x0;
	lr =	simm.s32 $0x1  }
0x2: {  	[smem:$0x3F9E] =	sst lr;
	_ =	strace $0xD0000000  }
0x3: {  	_ = 	snop  }
0x4: {  	_ = 	snop  }
0x5: {  	_ = 	snop  }
0x6: {  	_ = 	snop  }
0x7: {  	_ = 	snop  }
__scs_overlays_trampoline_lowered:
0x8: {  	[smem:$0x3FAD] =	sst s0  }
0x9: {  	[smem:$0x3FAE] =	sst s1  }
0xa: {  	[smem:$0x3FAF] =	sst s2  }
0xb: {  	[smem:$0x3FB0] =	sst s3  }
0xc: {  	[smem:$0x3FB1] =	sst s4  }
0xd: {  	[smem:$0x3FB2] =	sst s5  }
0xe: {  	[smem:$0x3FB3] =	sst s6  }
0xf: {  	[smem:$0x3FB4] =	sst s7  }
0x10: {  	[smem:$0x3FB5] =	sst s8  }
0x11: {  	[smem:$0x3FB6] =	sst s9;
	s0 =	simm.s32 @!p0 $0x0  }
0x12: {  	s1 =	sld [smem:$0x3F9C];
	s0 =	simm.s32 @p0 $0x1  }
0x13: {  	[smem:$0x3FB7] =	sst s0;
	s0 =	simm.s32 @!p1 $0x0  }
0x14: {  	s2 =	sld [smem:$0x3F9B];
	s0 =	simm.s32 @p1 $0x1  }
0x15: {  	[smem:$0x3FB8] =	sst s0;
	s0 =	simm.s32 @!p2 $0x0  }
0x16: {  	s3 =	sld [smem:$0x3FDB];
	s0 =	simm.s32 @p2 $0x1  }
0x17: {  	s4 =	simm.s32 $0x1BF5;
	[smem:$0x3FBA] =	sst s0  }
0x18: {  	s0 =	sld [smem:$0x3F9D];
	_ =	swait.ge [sflag:s4], $0x0  }
0x19: {  	s7 =	sld [smem:$0x3F9E]  }
0x1a: {  	s8 =	sadd.s32 $0xFFFFE003, lr  }
0x1b: {  	s9 =	sadd.s32 $0xFFFFFEF7, lr;
	s5 =	simm.s32 $0xFFFFFFFF;
	p2 =	slt.u32 s8, $0xFFFFF086  }
0x1c: {  	p1 =	slt.u32 s9, $0xF7A;
	s5 =	simm.s32 @!p2 $0x0  }
0x1d: {  	s5 =	simm.s32 @p1 $0x1;
	p0 =	seq.s32 s7, s2  }
0x1e: {  	s7 =	smul.u32 @!p0 $0xF7A, s2;
	p2 =	seq.s32 @!p0 s5, $0x0  }
0x1f: {  	s9 =	smul.u32 $0xF7A, s1;
	s8 =	simm.s32 @!p0 $0x1BF5;
	p2 =	por !p2, p0  }
0x20: {  	[sflag:s8] =	ssyncset.s32 @!p0 $0xFFFFF086;
	s6 =	sadd.s32 @!p0 s3, s7;
	s7 =	simm.s32 @!p0 $0x108  }
0x21: {  	s3 =	sadd.s32 s3, s9;
	s6 =	sadd.s32 @!p0 $0x88, s6;
	s7 =	simm.s32 @p2 $0x1082  }
0x22: {  	[simem:s7], [sflag:s8] =	dma.local @!p0 [hbm:s6], $0xF7A  }
0x23: {  	s9 =	sor.u32 $0xD0000000, s2;
	s6 =	simm.s32 $0x108;
	_ =	swait.ge @!p0 [sflag:s8], $0x0  }
0x24: {  	s3 =	sadd.s32 $0x88, s3;
	s6 =	simm.s32 @!p1 $0x1082;
	[sflag:s4] =	ssyncset.s32 $0xFFFFF086  }
0x25: {  	[simem:s6], [sflag:s4] =	dma.local [hbm:s3], $0xF7A  }
0x26: {  	[smem:$0x3F9E] =	sst s1;
	(tag) =	ssettag s2;
	_ =	strace s9  }
0x27: {  	s1 =	sld [smem:$0x3FAE]  }
0x28: {  	s2 =	sld [smem:$0x3FAF]  }
0x29: {  	s4 =	sld [smem:$0x3FB1]  }
0x2a: {  	p0 =	seq.s32 s5, $0x0;
	s5 =	sld [smem:$0x3FB2]  }
0x2b: {  	s6 =	sld [smem:$0x3FB3]  }
0x2c: {  	s7 =	sld [smem:$0x3FB4]  }
0x2d: {  	s3 =	simm.s32 $0x108;
	s8 =	sld [smem:$0x3FB5]  }
0x2e: {  	s3 =	simm.s32 @!p0 $0x1082;
	s9 =	sld [smem:$0x3FB6]  }
0x2f: {  	lr =	sadd.s32 s0, s3;
	s0 =	sld [smem:$0x3FAD]  }
0x30: {  	s3 =	sld [smem:$0x3FB0]  }
0x31: {  	[smem:$0x3FB9] =	sst s10  }
0x32: {  	s10 =	sld [smem:$0x3FB7];
	_ =	sdelay $0x3  }
0x33: {  	p0 =	seq.s32 s10, $0x1;
	s10 =	sld [smem:$0x3FB9];
	_ =	sdelay $0x3  }
0x34: {  	[smem:$0x3FB9] =	sst s10  }
0x35: {  	s10 =	sld [smem:$0x3FB8];
	_ =	sdelay $0x3  }
0x36: {  	p1 =	seq.s32 s10, $0x1;
	s10 =	sld [smem:$0x3FB9];
	_ =	sdelay $0x3  }
0x37: {  	[smem:$0x3FB9] =	sst s10  }
0x38: {  	s10 =	sld [smem:$0x3FBA]  }
0x39: {  	_ = 	snop;
	(pc) =	sbr.ind lr, $3  }
0x3a: {  	_ = 	snop  }
0x3b: {  	_ = 	snop  }
0x3c: {  	p2 =	seq.s32 s10, $0x1;
	s10 =	sld [smem:$0x3FB9]  }
0x3d: {  	_ =	shalt  }
0x3e: {  	_ =	shalt  }
0x3f: {  	_ =	shalt  }
0x40: {  	_ =	shalt  }
0x41: {  	_ =	shalt  }
0x42: {  	_ =	shalt  }
0x43: {  	_ =	shalt  }
0x44: {  	_ =	shalt  }
0x45: {  	_ =	shalt  }
0x46: {  	_ =	shalt  }
0x47: {  	_ =	shalt  }
0x48: {  	_ =	shalt  }
0x49: {  	_ =	shalt  }
0x4a: {  	_ =	shalt  }
0x4b: {  	_ =	shalt  }
0x4c: {  	_ =	shalt  }
0x4d: {  	_ =	shalt  }
0x4e: {  	_ =	shalt  }
0x4f: {  	_ =	shalt  }
0x50: {  	_ =	shalt  }
0x51: {  	_ =	shalt  }
0x52: {  	_ =	shalt  }
0x53: {  	_ =	shalt  }
0x54: {  	_ =	shalt  }
0x55: {  	_ =	shalt  }
0x56: {  	_ =	shalt  }
0x57: {  	_ =	shalt  }
0x58: {  	_ =	shalt  }
0x59: {  	_ =	shalt  }
0x5a: {  	_ =	shalt  }
0x5b: {  	_ =	shalt  }
0x5c: {  	_ =	shalt  }
0x5d: {  	_ =	shalt  }
0x5e: {  	_ =	shalt  }
0x5f: {  	_ =	shalt  }
0x60: {  	_ =	shalt  }
0x61: {  	_ =	shalt  }
0x62: {  	_ =	shalt  }
0x63: {  	_ =	shalt  }
0x64: {  	_ =	shalt  }
0x65: {  	_ =	shalt  }
0x66: {  	_ =	shalt  }
0x67: {  	_ =	shalt  }
0x68: {  	_ =	shalt  }
0x69: {  	_ =	shalt  }
0x6a: {  	_ =	shalt  }
0x6b: {  	_ =	shalt  }
0x6c: {  	_ =	shalt  }
0x6d: {  	_ =	shalt  }
0x6e: {  	_ =	shalt  }
0x6f: {  	_ =	shalt  }
0x70: {  	_ =	shalt  }
0x71: {  	_ =	shalt  }
0x72: {  	_ =	shalt  }
0x73: {  	_ =	shalt  }
0x74: {  	_ =	shalt  }
0x75: {  	_ =	shalt  }
0x76: {  	_ =	shalt  }
0x77: {  	_ =	shalt  }
0x78: {  	_ =	shalt  }
0x79: {  	_ =	shalt  }
0x7a: {  	_ =	shalt  }
0x7b: {  	_ =	shalt  }
0x7c: {  	_ =	shalt  }
0x7d: {  	_ =	shalt  }
0x7e: {  	_ =	shalt  }
0x7f: {  	_ =	shalt  }
0x80: {  	_ =	shalt  }
0x81: {  	_ =	shalt  }
0x82: {  	_ =	shalt  }
0x83: {  	_ =	shalt  }
0x84: {  	_ =	shalt  }
0x85: {  	_ =	shalt  }
0x86: {  	_ =	shalt  }
0x87: {  	_ =	shalt  }
.Lfunc_end0:
.L_simem_size_0:
called_computation_lowered:
.L_overlay_start_0:
0x88: {  	s2 =	sld [smem:$0x3FD9]  }
0x89: {  	s3 =	sld [smem:$0x3FFE];
	_ =	sdelay $0x1  }
0x8a: {  	s1 =	srdreg.scid  }
0x8b: {  	s0 =	sand.u32 $0x1, s1  }
0x8c: {  	s17 =	sshll.u32 s0, $0xA;
	s2 =	sadd.s32 s3, s2  }
0x8d: {  	s2 =	sadd.s32 s2, s17  }
0x8e: {  	[smem:$0x3FC5] =	sst s2  }
0x8f: {  	_ = 	snop  }
0x90: {  	s2 =	sld [smem:$0x3FC8]  }
0x91: {  	s18 =	sld [smem:$0x3FC7]  }
0x92: {  	s4 =	sld [smem:$0x3FD0];
	(tm) =	ssettm $0x1  }
0x93: {  	s5 =	sld [smem:$0x3FFB];
	_ =	sdelay $0x3  }
0x94: {  	_ =	strace s5  }
0x95: {  	s5 =	sld [smem:$0x3FFC];
	_ =	sdelay $0x3  }
0x96: {  	_ =	strace s5  }
0x97: {  	s5 =	sld [smem:$0x3FFD];
	_ =	sdelay $0x3  }
0x98: {  	_ =	strace s5  }
0x99: {  	_ =	strace $0x8FFFFFFF  }
0x9a: {  	s19 =	sld [smem:$0x3FDB];
	_ =	sdelay $0x1  }
0x9b: {  	s6 =	simm.s32 $_scs_section_size  }
0x9c: {  	s7 =	simm.s32 $_size__tile_overlayer_lowered;
	s8 =	simm.s32 $_tile_overlayer_lowered  }
0x9d: {  	s22 =	simm.s32 $0x1BFF;
	s21 =	sshll.u32 s8, $0x1;
	s5 =	sadd.s32 s6, s19  }
0x9e: {  	s9 =	simm.s32 $0x0;
	s20 =	sshll.u32 s7, $0x1;
	s7 =	sadd.s32 s21, s5  }
0x9f: {  	[timem:s9], [sflag:s22] =	dma.local [hbm:s7], s20  }
0xa0: {  	_ =	swait.ge [sflag:s22], s20  }
0xa1: {  	s6 =	ssub.s32 $0x0, s20;
	[sflag:s22] =	ssyncset.done $0x0  }
0xa2: {  	[sflag:s22] =	ssyncadd.s32 s6;
	_ =	sdelay $0x1  }
0xa3: {  	s23 =	simm.s32 $0x1B8B  }
0xa4: {  	_ =	swait.ge [sflag:s23], $0x1  }
0xa5: {  	[sflag:s23] =	ssyncset.done $0x0  }
0xa6: {  	s25 =	simm.s32 $0x1B8E;
	s24 =	sld [smem:$0x3FFE];
	[sflag:s23] =	ssyncadd.s32 $0xFFFFFFFF  }
0xa7: {  	s26 =	simm.s32 $execute0_lowered;
	[smem:$0x3FD2] =	sst s25  }
0xa8: {  	s7 =	sshll.u32 s26, $0x1;
	_ =	strace $0x80000046;
	[dreg:$0x1] =	wrdreg $0xFFFFFFFF  }
0xa9: {  	s28 =	simm.s32 $_size_execute0_lowered;
	s5 =	sadd.s32 s5, s7;
	[dreg:$0x0] =	wrdreg $0x0  }
0xaa: {  	s7 =	sshll.u32 s28, $0x1;
	[dreg:$0x2] =	wrdreg s5  }
0xab: {  	[dreg:$0x3] =	wrdreg s7  }
0xac: {  	[dreg:$0x4] =	wrdreg $0xC0  }
0xad: {  	_ =	task [dreg:s9], $0x5FFFF  }
0xae: {  	[dreg:$0x1] =	wrdreg $0xFFFFFFFF  }
0xaf: {  	[dreg:$0x0] =	wrdreg $0x60  }
0xb0: {  	[dreg:$0x2] =	wrdreg s24  }
0xb1: {  	[dreg:$0x3] =	wrdreg s2  }
0xb2: {  	[dreg:$0x4] =	wrdreg s18  }
0xb3: {  	[dreg:$0x5] =	wrdreg s4  }
0xb4: {  	[dreg:$0x6] =	wrdreg $0x9  }
0xb5: {  	_ =	task.clear_ibuf [dreg:s9], $0x7FFFF;
	_ =	strace $0x90000046  }
0xb6: {  	s29 =	simm.s32 $0x9;
	_ =	strace $0x80000048  }
0xb7: {  	_ =	swait.ge [sflag:s29], $0x1  }
0xb8: {  	[sflag:s29] =	ssyncadd.s32 $0xFFFFFFFF  }
0xb9: {  	_ =	strace $0x90000048  }
0xba: {  	_ =	sfence  }
0xbb: {  	s30 =	sld [smem:$0x0];
	_ =	sdelay $0x2  }
0xbc: {  	s31 =	sshll.u32 s1, $0xD;
	s1 =	sshrl.u32 s1, $0x2  }
0xbd: {  	s3 =	sand.u32 $0x4000, s31;
	s1 =	sadd.s32 s1, s30  }
0xbe: {  	s0 =	sor.u32 s3, s0;
	s1 =	sshll.u32 s1, $0x11  }
0xbf: {  	s0 =	sor.u32 s1, s0  }
0xc0: {  	s0 =	sadd.s32 $0x8F2B, s0  }
0xc1: {  	[sflag:s0] =	ssyncadd.remote.s32 $0x1  }
0xc2: {  	_ =	sfence.sel $0xFFFF  }
0xc3: {  	[dreg:$0x0] =	wrdreg $0xFFFFFFFF;
	(pc) =	sbr.abs _section_cstart, $3  }
0xc4: {  	[dreg:$0x1] =	wrdreg $0xFFFFFFFF  }
0xc5: {  	_ =	task.clear_ibuf [dreg:s9], $0x2FFFF;
	_ =	strace $0x9FFFFFFF  }
0xc6: {  	(tm) =	ssettm $0x7FFFFFFF  }
0xc7: {  	_ =	shalt  }
tec
execute0_lowered:
.L_overlay_start_1:
0x0: {  	(tag) =	ssettag $0x1  }
0x1: {  	v0 =	vimm.s32 $0xFEDCBA98;
	v2 =	vimm.s32 $0x76543210  }
0x2: {  	vm0 =	vmmov $0xffff;
	v6 =	vimm.s32 $0x32107654;
	v7 =	vimm.s32 $0xDCFE98BA  }
0x3: {  	v8 =	vimm.s32 $0x54761032;
	v9 =	vimm.s32 $0xEFCDAB89;
	v10 =	vimm.s32 $0x67452301  }
0x4: {  	v12 =	vimm.s32 $0x4;
	v13 =	vimm.s32 $0x5;
	v14 =	vimm.s32 $0x6  }
0x5: {  	s1 =	rddreg [dreg:$0x0];
	v15 =	vimm.s32 $0x7;
	v16 =	vimm.s32 $0x8;
	v17 =	vimm.s32 $0x9  }
0x6: {  	s0 =	rddreg [dreg:$0x1];
	v18 =	vimm.s32 $0xA;
	v19 =	vimm.s32 $0xB;
	v20 =	vimm.s32 $0xC  }
0x7: {  	s2 =	rddreg [dreg:$0x3];
	s3 =	simm.s32 $0x0;
	s4 =	srdreg.scid;
	v21 =	vimm.s32 $0xD;
	v22 =	vimm.s32 $0xE;
	v23 =	vimm.s32 $0xF  }
0x8: {  	s5 =	stileid.u32;
	s11 =	simm.s32 $0xB;
	s28 =	simm.s32 $0x8000;
	v1 =	vunpack.c.l.s4.s8 v0;
	v0 =	vlaneseq.u32;
	v4 =	vunpack.c.l.s4.s8 v2  }
0x9: {  	s29 =	simm.s32 $0x8800;
	s30 =	simm.s32 $0x8;
	s31 =	simm.s32 $0x9;
	v6 =	vunpack.c.l.s4.s8 v6;
	v7 =	vunpack.c.l.s4.s8 v7;
	v3 =	vshrl.u32 v0, $0x3  }
0xa: {  	s12 =	simm.s32 $0x0;
	s4 =	sand.u32 $0x1, s4;
	s5 =	sshll.u32 s5, $0x1;
	v8 =	vunpack.c.l.s4.s8 v8;
	v2 =	vmul.u32 $0x8, v3;
	v3 =	vimm.s32 $0xBA98FEDC  }
0xb: {  	[smem:$0x7FF] =	sst s3;
	v9 =	vunpack.c.l.s4.s8 v9;
	v10 =	vunpack.c.l.s4.s8 v10;
	s8 =	sadd.s32 $0x300, s0;
	s5 =	sor.u32 s4, s5;
	v3 =	vunpack.c.l.s4.s8 v3  }
0xc: {  	s4 =	ssub.s32 $0x2, s4;
	_ =	strace $0x80000047;
	v5 =	vunpack.c.0.s8.s32 v1;
	v4 =	vunpack.c.0.s8.s32 v4;
	s6 =	sshll.u32 s5, $0x9;
	v6 =	vunpack.c.0.s8.s32 v6  }
0xd: {  	s7 =	sshrl.u32 s4, $0x1;
	s9 =	sshll.u32 s5, $0x10;
	v7 =	vunpack.c.0.s8.s32 v7;
	v8 =	vunpack.c.0.s8.s32 v8;
	s1 =	sadd.s32 s6, s1;
	v11 =	vunpack.c.0.s8.s32 v3  }
0xe: {  	v9 =	vunpack.c.0.s8.s32 v9;
	v10 =	vunpack.c.0.s8.s32 v10;
	s4 =	ssub.s32 s4, s7;
	s6 =	sadd.s32 $0x100, s0;
	s7 =	sadd.s32 $0x200, s0;
	v5 =	vand.u32 $0xF, v5  }
0xf: {  	v1 =	vand.u32 $0x7, v0;
	s9 =	sadd.s32 s2, s9;
	s2 =	simm.s32 $0x6;
	s5 =	sadd.s32 $0x400, s1;
	v4 =	vcombine.low v5, v4;
	v5 =	vcombine.low v6, v11  }
0x10: {  	s10 =	smax.u32 s4, $0x1;
	s4 =	simm.s32 $0xA;
	s1 =	simm.s32 $0x7;
	v3 =	vor.u32 $0x8, v0;
	v6 =	vcombine.low v8, v7;
	v7 =	vcombine.low v10, v9  }
.LBB2_1:
0x11: {  	[tilespmem:s3], [sflag:$0xB] =	stream.linear.gather [hbm4b:s5+s3], $0x1000, $0x38;
	[tilespmem:$0x15400] =	vst v63  }
0x12: {  	_ =	swait.ge [sflag:s11], $0x1000  }
0x13: {  	[sflag:s11] =	ssyncset.done $0x0  }
0x14: {  	[sflag:s11] =	ssyncadd.s32 $0xFFFFF000  }
0x15: {  	s14 =	simm.s32 $0x15000;
	s13 =	rddreg [dreg:$0x2]  }
0x16: {  	[tilespmem:s14], [sflag:$0xB] =	stream.linear.gather [hbm4b:s13+s3], $0x400, $0x38;
	[tilespmem:$0x15400] =	vst v63  }
0x17: {  	_ =	swait.ge [sflag:s11], $0x400  }
0x18: {  	[sflag:s11] =	ssyncset.done $0x0  }
0x19: {  	[sflag:s11] =	ssyncadd.s32 $0xFFFFFC00  }
0x1a: {  	v24 =	vld [tilespmem:$0x0];
	_ =	sdelay $0x4  }
0x1b: {  	v25 =	vshll.u32 v24, $0x3  }
0x1c: {  	v24 =	vand.u32 $0x7, v24;
	v25 =	vand.u32 $0xFFFFFFC0, v25  }
0x1d: {  	v24 =	vor.u32 v24, v25  }
0x1e: {  	v25 =	vperm.xlane v24, v1;
	_ =	sdelay $0x1  }
0x1f: {  	v25 =	vadd.s32 v2, v25;
	_ =	sdelay $0x3  }
0x20: {  	s26 =	simm.s32 $0x1000  }
0x21: {  	[tilespmem:s26], [sflag:$0x1] =	stream.indirect_vreg.gather [hbm4b:s0+s3], $0x80, v25, vm0, $0xb8;
	[tilespmem:$0x15400] =	vst v63  }
0x22: {  	s14 =	simm.s32 $0x1800;
	v24 =	vperm.xlane v24, v3  }
0x23: {  	[tilespmem:s14], [sflag:$0x1] =	stream.indirect_vreg.gather [hbm4b:s6+s3], $0x80, v25, vm0, $0xb8;
	[tilespmem:$0x15400] =	vst v63  }
0x24: {  	s15 =	simm.s32 $0x2000;
	v24 =	vadd.s32 v2, v24  }
0x25: {  	[tilespmem:s15], [sflag:$0x1] =	stream.indirect_vreg.gather [hbm4b:s7+s3], $0x80, v25, vm0, $0xb8;
	[tilespmem:$0x15400] =	vst v63  }
0x26: {  	s16 =	simm.s32 $0x2800  }
0x27: {  	[tilespmem:s16], [sflag:$0x1] =	stream.indirect_vreg.gather [hbm4b:s8+s3], $0x80, v25, vm0, $0xb8;
	[tilespmem:$0x15400] =	vst v63  }
0x28: {  	s17 =	simm.s32 $0x3000  }
0x29: {  	[tilespmem:s17], [sflag:$0x1] =	stream.indirect_vreg.gather [hbm4b:s0+s3], $0x80, v24, vm0, $0xb8;
	[tilespmem:$0x15400] =	vst v63  }
0x2a: {  	s18 =	simm.s32 $0x3800  }
0x2b: {  	[tilespmem:s18], [sflag:$0x1] =	stream.indirect_vreg.gather [hbm4b:s6+s3], $0x80, v24, vm0, $0xb8;
	[tilespmem:$0x15400] =	vst v63  }
0x2c: {  	s19 =	simm.s32 $0x4000  }
0x2d: {  	[tilespmem:s19], [sflag:$0x1] =	stream.indirect_vreg.gather [hbm4b:s7+s3], $0x80, v24, vm0, $0xb8;
	[tilespmem:$0x15400] =	vst v63  }
0x2e: {  	s20 =	simm.s32 $0x4800  }
0x2f: {  	[tilespmem:s20], [sflag:$0x1] =	stream.indirect_vreg.gather [hbm4b:s8+s3], $0x80, v24, vm0, $0xb8;
	[tilespmem:$0x15400] =	vst v63  }
0x30: {  	v24 =	vld [tilespmem:$0x80];
	_ =	sdelay $0x4  }
0x31: {  	v63 =	vshll.u32 v24, $0x3  }
0x32: {  	v24 =	vand.u32 $0x7, v24;
	v25 =	vand.u32 $0xFFFFFFC0, v63  }
0x33: {  	v24 =	vor.u32 v24, v25  }
0x34: {  	v25 =	vperm.xlane v24, v1;
	_ =	sdelay $0x1  }
0x35: {  	v25 =	vadd.s32 v2, v25;
	_ =	sdelay $0x3  }
0x36: {  	s21 =	simm.s32 $0x5000  }
0x37: {  	[tilespmem:s21], [sflag:$0x2] =	stream.indirect_vreg.gather [hbm4b:s0+s3], $0x80, v25, vm0, $0xb8;
	[tilespmem:$0x15400] =	vst v63  }
0x38: {  	s22 =	simm.s32 $0x5800;
	v24 =	vperm.xlane v24, v3  }
0x39: {  	[tilespmem:s22], [sflag:$0x2] =	stream.indirect_vreg.gather [hbm4b:s6+s3], $0x80, v25, vm0, $0xb8;
	[tilespmem:$0x15400] =	vst v63  }
0x3a: {  	s23 =	simm.s32 $0x6000;
	v24 =	vadd.s32 v2, v24  }
0x3b: {  	[tilespmem:s23], [sflag:$0x2] =	stream.indirect_vreg.gather [hbm4b:s7+s3], $0x80, v25, vm0, $0xb8;
	[tilespmem:$0x15400] =	vst v63  }
0x3c: {  	s24 =	simm.s32 $0x6800  }
0x3d: {  	[tilespmem:s24], [sflag:$0x2] =	stream.indirect_vreg.gather [hbm4b:s8+s3], $0x80, v25, vm0, $0xb8;
	[tilespmem:$0x15400] =	vst v63  }
0x3e: {  	s25 =	simm.s32 $0x7000  }
0x3f: {  	[tilespmem:s25], [sflag:$0x2] =	stream.indirect_vreg.gather [hbm4b:s0+s3], $0x80, v24, vm0, $0xb8;
	[tilespmem:$0x15400] =	vst v63  }
0x40: {  	s26 =	simm.s32 $0x7800  }
0x41: {  	[tilespmem:s26], [sflag:$0x2] =	stream.indirect_vreg.gather [hbm4b:s6+s3], $0x80, v24, vm0, $0xb8;
	[tilespmem:$0x15400] =	vst v63  }
0x42: {  	_ = 	snop  }
0x43: {  	[tilespmem:s28], [sflag:$0x2] =	stream.indirect_vreg.gather [hbm4b:s7+s3], $0x80, v24, vm0, $0xb8;
	[tilespmem:$0x15400] =	vst v63  }
0x44: {  	s13 =	simm.s32 $0x0  }
0x45: {  	[tilespmem:s29], [sflag:$0x2] =	stream.indirect_vreg.gather [hbm4b:s8+s3], $0x80, v24, vm0, $0xb8;
	[tilespmem:$0x15400] =	vst v63  }
.LBB2_2:
0x46: {  	s14 =	smul.u32 $0xCD, s13;
	_ =	sdelay $0x1  }
0x47: {  	s17 =	sadd.s32 $0xFFFFFFFD, s13;
	s15 =	sadd.s32 $0x19A, s14  }
0x48: {  	p0 =	sgt.u32 s17, $0x1A;
	s15 =	sshrl.u32 s15, $0xA  }
.Ltmp0:
0x49: {  	s15 =	sand.u32 $0x3F, s15;
	(pc) =	sbr.rel @p0 .LBB2_4-.Ltmp0, $4  }
0x4a: {  	s15 =	smul.u32 $0x5, s15  }
0x4b: {  	s16 =	sadd.s32 $0x2, s13  }
0x4c: {  	s15 =	ssub.s32 s16, s15  }
0x4d: {  	s15 =	sand.u32 $0xFF, s15  }
.Ltmp1:
0x4e: {  	(pc) =	sbr.rel .LBB2_5-.Ltmp1, $4  }
0x4f: {  	s17 =	sadd.s32 $0x6, s15  }
0x50: {  	_ =	swait.ge [sflag:s17], $0x4000  }
0x51: {  	[sflag:s17] =	ssyncset.done $0x0  }
0x52: {  	[sflag:s17] =	ssyncadd.s32 $0xFFFFC000  }
.LBB2_4:
0x53: {  	p0 =	sgt.u32 s13, $0x1D  }
.Ltmp2:
0x54: {  	_ = 	snop;
	(pc) =	sbr.rel @p0 .LBB2_6-.Ltmp2, $1  }
0x55: {  	_ =	sdelay $0x3  }
.LBB2_5:
0x56: {  	s16 =	sshll.u32 s16, $0x7  }
0x57: {  	s16 =	sand.u32 $0x3FFFFF80, s16  }
0x58: {  	v24 =	vld [tilespmem:s16+$0x0];
	_ =	sdelay $0x4  }
0x59: {  	v25 =	vshll.u32 v24, $0x3  }
0x5a: {  	v24 =	vand.u32 $0x7, v24;
	v25 =	vand.u32 $0xFFFFFFC0, v25  }
0x5b: {  	v24 =	vor.u32 v24, v25  }
0x5c: {  	v25 =	vperm.xlane v24, v1;
	_ =	sdelay $0x1  }
0x5d: {  	v25 =	vadd.s32 v2, v25;
	_ =	sdelay $0x2  }
0x5e: {  	s19 =	sshll.u32 s15, $0xE  }
0x5f: {  	s20 =	sadd.s32 $0x1, s15;
	s17 =	sor.u32 $0x1000, s19  }
0x60: {  	[tilespmem:s17], [sflag:s20] =	stream.indirect_vreg.gather [hbm4b:s0+s3], $0x80, v25, vm0, $0xb8;
	[tilespmem:$0x15400] =	vst v63  }
0x61: {  	s21 =	sor.u32 $0x1800, s19;
	v24 =	vperm.xlane v24, v3  }
0x62: {  	[tilespmem:s21], [sflag:s20] =	stream.indirect_vreg.gather [hbm4b:s6+s3], $0x80, v25, vm0, $0xb8;
	[tilespmem:$0x15400] =	vst v63  }
0x63: {  	s22 =	sor.u32 $0x2000, s19;
	v24 =	vadd.s32 v2, v24  }
0x64: {  	[tilespmem:s22], [sflag:s20] =	stream.indirect_vreg.gather [hbm4b:s7+s3], $0x80, v25, vm0, $0xb8;
	[tilespmem:$0x15400] =	vst v63  }
0x65: {  	s23 =	sor.u32 $0x2800, s19  }
0x66: {  	[tilespmem:s23], [sflag:s20] =	stream.indirect_vreg.gather [hbm4b:s8+s3], $0x80, v25, vm0, $0xb8;
	[tilespmem:$0x15400] =	vst v63  }
0x67: {  	s24 =	sor.u32 $0x3000, s19  }
0x68: {  	[tilespmem:s24], [sflag:s20] =	stream.indirect_vreg.gather [hbm4b:s0+s3], $0x80, v24, vm0, $0xb8;
	[tilespmem:$0x15400] =	vst v63  }
0x69: {  	s25 =	sor.u32 $0x3800, s19  }
0x6a: {  	[tilespmem:s25], [sflag:s20] =	stream.indirect_vreg.gather [hbm4b:s6+s3], $0x80, v24, vm0, $0xb8;
	[tilespmem:$0x15400] =	vst v63  }
0x6b: {  	s26 =	sadd.s32 $0x4000, s19  }
0x6c: {  	[tilespmem:s26], [sflag:s20] =	stream.indirect_vreg.gather [hbm4b:s7+s3], $0x80, v24, vm0, $0xb8;
	[tilespmem:$0x15400] =	vst v63  }
0x6d: {  	s16 =	sadd.s32 $0x4800, s19  }
0x6e: {  	[tilespmem:s16], [sflag:s20] =	stream.indirect_vreg.gather [hbm4b:s8+s3], $0x80, v24, vm0, $0xb8;
	[tilespmem:$0x15400] =	vst v63  }
.LBB2_6:
0x6f: {  	s14 =	sshrl.u32 s14, $0xA  }
0x70: {  	s14 =	sand.u32 $0x3F, s14  }
0x71: {  	s14 =	smul.u32 $0x5, s14;
	_ =	sdelay $0x1  }
0x72: {  	s14 =	ssub.s32 s13, s14  }
0x73: {  	s14 =	sand.u32 $0xFF, s14  }
0x74: {  	s15 =	sshll.u32 s14, $0xE  }
0x75: {  	v24 =	vmov s15  }
0x76: {  	s16 =	sadd.s32 $0x1, s14  }
0x77: {  	s18 =	simm.s32 $0x0;
	_ =	swait.ge [sflag:s16], $0x4000  }
0x78: {  	s17 =	sand.u32 $0x2000, s18;
	s19 =	sand.u32 $0x380, s18;
	[sflag:s16] =	ssyncset.done $0x0  }
0x79: {  	[sflag:s16] =	ssyncadd.s32 $0xFFFFC000;
	s16 =	sor.u32 s19, s17  }
0x7a: {  	v25 =	vld.idx.msk [tilespmem:v24+s16+$0x2C40 ss:$0x1], $0xffff  }
0x7b: {  	v27 =	vld.idx.msk [tilespmem:v24+s16+$0x2C50 ss:$0x1], $0xffff  }
0x7c: {  	v28 =	vld.idx.msk [tilespmem:v24+s16+$0x2C00 ss:$0x1], $0xffff  }
0x7d: {  	v29 =	vld.idx.msk [tilespmem:v24+s16+$0x2C10 ss:$0x1], $0xffff  }
0x7e: {  	v30 =	vld.idx.msk [tilespmem:v24+s16+$0x2840 ss:$0x1], $0xffff  }
0x7f: {  	v31 =	vld.idx.msk [tilespmem:v24+s16+$0x2850 ss:$0x1], $0xffff  }
0x80: {  	v32 =	vld.idx.msk [tilespmem:v24+s16+$0x2800 ss:$0x1], $0xffff  }
0x81: {  	v33 =	vld.idx.msk [tilespmem:v24+s16+$0x2810 ss:$0x1], $0xffff  }
0x82: {  	v34 =	vld.idx.msk [tilespmem:v24+s16+$0x2440 ss:$0x1], $0xffff  }
0x83: {  	v35 =	vld.idx.msk [tilespmem:v24+s16+$0x2450 ss:$0x1], $0xffff  }
0x84: {  	v36 =	vld.idx.msk [tilespmem:v24+s16+$0x2400 ss:$0x1], $0xffff  }
0x85: {  	v37 =	vld.idx.msk [tilespmem:v24+s16+$0x2410 ss:$0x1], $0xffff  }
0x86: {  	v38 =	vld.idx.msk [tilespmem:v24+s16+$0x2040 ss:$0x1], $0xffff  }
0x87: {  	v39 =	vld.idx.msk [tilespmem:v24+s16+$0x2050 ss:$0x1], $0xffff  }
0x88: {  	v40 =	vld.idx.msk [tilespmem:v24+s16+$0x2000 ss:$0x1], $0xffff  }
0x89: {  	v42 =	vld.idx.msk [tilespmem:v24+s16+$0x2010 ss:$0x1], $0xffff  }
0x8a: {  	v43 =	vld.idx.msk [tilespmem:v24+s16+$0x1C40 ss:$0x1], $0xffff  }
0x8b: {  	v44 =	vld.idx.msk [tilespmem:v24+s16+$0x1C50 ss:$0x1], $0xffff  }
0x8c: {  	v45 =	vld.idx.msk [tilespmem:v24+s16+$0x1C00 ss:$0x1], $0xffff  }
0x8d: {  	v60 =	vld.idx.msk [tilespmem:v24+s16+$0x1C10 ss:$0x1], $0xffff  }
0x8e: {  	v47 =	vld.idx.msk [tilespmem:v24+s16+$0x1840 ss:$0x1], $0xffff  }
0x8f: {  	v46 =	vld.idx.msk [tilespmem:v24+s16+$0x1850 ss:$0x1], $0xffff  }
0x90: {  	v49 =	vld.idx.msk [tilespmem:v24+s16+$0x1800 ss:$0x1], $0xffff  }
0x91: {  	v48 =	vld.idx.msk [tilespmem:v24+s16+$0x1810 ss:$0x1], $0xffff  }
0x92: {  	v50 =	vld.idx.msk [tilespmem:v24+s16+$0x1440 ss:$0x1], $0xffff;
	v26 =	vmul.f32 v25, v25;
	v28 =	vmul.f32 v28, v28  }
0x93: {  	v51 =	vld.idx.msk [tilespmem:v24+s16+$0x1450 ss:$0x1], $0xffff;
	v27 =	vmul.f32 v27, v27;
	v29 =	vmul.f32 v29, v29  }
0x94: {  	v53 =	vld.idx.msk [tilespmem:v24+s16+$0x1400 ss:$0x1], $0xffff;
	v30 =	vmul.f32 v30, v30;
	v31 =	vmul.f32 v31, v31  }
0x95: {  	v52 =	vld.idx.msk [tilespmem:v24+s16+$0x1410 ss:$0x1], $0xffff;
	v32 =	vmul.f32 v32, v32;
	v33 =	vmul.f32 v33, v33  }
0x96: {  	v54 =	vld.idx.msk [tilespmem:v24+s16+$0x1000 ss:$0x1], $0xffff;
	v34 =	vmul.f32 v34, v34;
	v35 =	vmul.f32 v35, v35  }
0x97: {  	v55 =	vld.idx.msk [tilespmem:v24+s16+$0x1010 ss:$0x1], $0xffff;
	v36 =	vmul.f32 v36, v36;
	v37 =	vmul.f32 v37, v37  }
0x98: {  	v56 =	vld.idx.msk [tilespmem:v24+s16+$0x1020 ss:$0x1], $0xffff;
	v38 =	vmul.f32 v38, v38;
	v39 =	vmul.f32 v39, v39  }
0x99: {  	v57 =	vld.idx.msk [tilespmem:v24+s16+$0x1030 ss:$0x1], $0xffff;
	v41 =	vmul.f32 v40, v40;
	v40 =	vmul.f32 v42, v42  }
0x9a: {  	v58 =	vld.idx.msk [tilespmem:v24+s16+$0x1040 ss:$0x1], $0xffff;
	v43 =	vmul.f32 v43, v43;
	v42 =	vmul.f32 v44, v44  }
0x9b: {  	s20 =	simm.s32 $0x0;
	s19 =	simm.s32 $0x1;
	s17 =	simm.s32 $0x0;
	v59 =	vld.idx.msk [tilespmem:v24+s16+$0x1050 ss:$0x1], $0xffff;
	v25 =	vimm.f32 $0.0e+00;
	v45 =	vmul.f32 v45, v45;
	v44 =	vmul.f32 v60, v60  }
.LBB2_7:
0x9c: {  	p0 =	sne.s32 s19, $0xF;
	v60 =	vld.idx.msk [tilespmem:v24+s16+$0x1060 ss:$0x1], $0xffff;
	v47 =	vmul.f32 v47, v47;
	v46 =	vmul.f32 v46, v46  }
0x9d: {  	v49 =	vmul.f32 v49, v49;
	v48 =	vmul.f32 v48, v48;
	v61 =	vld.idx.msk [tilespmem:v24+s16+$0x1070 ss:$0x1], $0xffff  }
0x9e: {  	v50 =	vmul.f32 v50, v50;
	v51 =	vmul.f32 v51, v51;
	v62 =	vld.idx.msk [tilespmem:v24+s16+$0x1420 ss:$0x1], $0xffff  }
0x9f: {  	v53 =	vmul.f32 v53, v53;
	v52 =	vmul.f32 v52, v52;
	v63 =	vld.idx.msk [tilespmem:v24+s16+$0x1430 ss:$0x1], $0xffff  }
0xa0: {  	v54 =	vmul.f32 v54, v54;
	v55 =	vmul.f32 v55, v55;
	v8 =	vld.idx.msk [tilespmem:v24+s16+$0x1460 ss:$0x1], $0xffff  }
0xa1: {  	v56 =	vmul.f32 v56, v56;
	v57 =	vmul.f32 v57, v57;
	v9 =	vld.idx.msk [tilespmem:v24+s16+$0x1470 ss:$0x1], $0xffff  }
0xa2: {  	v58 =	vmul.f32 v58, v58;
	v59 =	vmul.f32 v59, v59;
	v10 =	vld.idx.msk [tilespmem:v24+s16+$0x1820 ss:$0x1], $0xffff  }
0xa3: {  	v60 =	vmul.f32 v60, v60;
	v61 =	vmul.f32 v61, v61;
	v11 =	vld.idx.msk [tilespmem:v24+s16+$0x1830 ss:$0x1], $0xffff  }
0xa4: {  	v54 =	vadd.f32 v58, v54;
	v55 =	vadd.f32 v59, v55;
	v58 =	vmul.f32 v62, v62;
	v59 =	vld.idx.msk [tilespmem:v24+s16+$0x1860 ss:$0x1], $0xffff  }
0xa5: {  	v56 =	vadd.f32 v60, v56;
	v57 =	vadd.f32 v61, v57;
	v60 =	vmul.f32 v63, v63;
	v61 =	vld.idx.msk [tilespmem:v24+s16+$0x1870 ss:$0x1], $0xffff  }
0xa6: {  	v53 =	vadd.f32 v53, v54;
	v52 =	vadd.f32 v52, v55;
	v8 =	vmul.f32 v8, v8;
	v54 =	vld.idx.msk [tilespmem:v24+s16+$0x1C20 ss:$0x1], $0xffff  }
0xa7: {  	v55 =	vadd.f32 v58, v56;
	v56 =	vadd.f32 v60, v57;
	v9 =	vmul.f32 v9, v9;
	v57 =	vld.idx.msk [tilespmem:v24+s16+$0x1C30 ss:$0x1], $0xffff  }
0xa8: {  	v50 =	vadd.f32 v50, v53;
	v51 =	vadd.f32 v51, v52;
	v10 =	vmul.f32 v10, v10;
	v52 =	vld.idx.msk [tilespmem:v24+s16+$0x1C60 ss:$0x1], $0xffff  }
0xa9: {  	v8 =	vadd.f32 v8, v55;
	v9 =	vadd.f32 v9, v56;
	v11 =	vmul.f32 v11, v11;
	v53 =	vld.idx.msk [tilespmem:v24+s16+$0x1C70 ss:$0x1], $0xffff  }
0xaa: {  	v49 =	vadd.f32 v49, v50;
	v48 =	vadd.f32 v48, v51;
	v50 =	vmul.f32 v59, v59;
	v51 =	vld.idx.msk [tilespmem:v24+s16+$0x2020 ss:$0x1], $0xffff  }
0xab: {  	v8 =	vadd.f32 v10, v8;
	v9 =	vadd.f32 v11, v9;
	v10 =	vmul.f32 v61, v61;
	v11 =	vld.idx.msk [tilespmem:v24+s16+$0x2030 ss:$0x1], $0xffff  }
0xac: {  	v47 =	vadd.f32 v47, v49;
	v46 =	vadd.f32 v46, v48;
	v48 =	vmul.f32 v54, v54;
	v49 =	vld.idx.msk [tilespmem:v24+s16+$0x2060 ss:$0x1], $0xffff  }
0xad: {  	v8 =	vadd.f32 v50, v8;
	v9 =	vadd.f32 v10, v9;
	v10 =	vmul.f32 v57, v57;
	v50 =	vld.idx.msk [tilespmem:v24+s16+$0x2070 ss:$0x1], $0xffff  }
0xae: {  	v45 =	vadd.f32 v45, v47;
	v44 =	vadd.f32 v44, v46;
	v46 =	vmul.f32 v52, v52;
	v47 =	vld.idx.msk [tilespmem:v24+s16+$0x2420 ss:$0x1], $0xffff  }
0xaf: {  	v8 =	vadd.f32 v48, v8;
	v9 =	vadd.f32 v10, v9;
	v10 =	vmul.f32 v53, v53;
	v48 =	vld.idx.msk [tilespmem:v24+s16+$0x2430 ss:$0x1], $0xffff  }
0xb0: {  	v43 =	vadd.f32 v43, v45;
	v42 =	vadd.f32 v42, v44;
	v44 =	vmul.f32 v51, v51;
	v45 =	vld.idx.msk [tilespmem:v24+s16+$0x2460 ss:$0x1], $0xffff  }
0xb1: {  	v8 =	vadd.f32 v46, v8;
	v9 =	vadd.f32 v10, v9;
	v10 =	vmul.f32 v11, v11;
	v11 =	vld.idx.msk [tilespmem:v24+s16+$0x2470 ss:$0x1], $0xffff  }
0xb2: {  	v41 =	vadd.f32 v41, v43;
	v40 =	vadd.f32 v40, v42;
	v42 =	vmul.f32 v49, v49;
	v43 =	vld.idx.msk [tilespmem:v24+s16+$0x2820 ss:$0x1], $0xffff  }
0xb3: {  	v8 =	vadd.f32 v44, v8;
	v9 =	vadd.f32 v10, v9;
	v10 =	vmul.f32 v50, v50;
	v44 =	vld.idx.msk [tilespmem:v24+s16+$0x2830 ss:$0x1], $0xffff  }
0xb4: {  	v38 =	vadd.f32 v38, v41;
	v39 =	vadd.f32 v39, v40;
	v40 =	vmul.f32 v47, v47;
	v41 =	vld.idx.msk [tilespmem:v24+s16+$0x2860 ss:$0x1], $0xffff  }
0xb5: {  	v8 =	vadd.f32 v42, v8;
	v9 =	vadd.f32 v10, v9;
	v10 =	vmul.f32 v48, v48;
	v42 =	vld.idx.msk [tilespmem:v24+s16+$0x2870 ss:$0x1], $0xffff  }
0xb6: {  	v36 =	vadd.f32 v36, v38;
	v37 =	vadd.f32 v37, v39;
	v38 =	vmul.f32 v45, v45;
	v39 =	vld.idx.msk [tilespmem:v24+s16+$0x2C20 ss:$0x1], $0xffff  }
0xb7: {  	s18 =	sadd.s32 $0x80, s18;
	s20 =	sadd.s32 $0x400, s20;
	v8 =	vadd.f32 v40, v8;
	v9 =	vadd.f32 v10, v9;
	v10 =	vmul.f32 v11, v11;
	v11 =	vld.idx.msk [tilespmem:v24+s16+$0x2C30 ss:$0x1], $0xffff  }
0xb8: {  	s21 =	sand.u32 $0x2000, s20;
	s22 =	sand.u32 $0x380, s18;
	v34 =	vadd.f32 v34, v36;
	v35 =	vadd.f32 v35, v37;
	v36 =	vmul.f32 v43, v43;
	v37 =	vld.idx.msk [tilespmem:v24+s16+$0x2C60 ss:$0x1], $0xffff  }
0xb9: {  	v8 =	vadd.f32 v38, v8;
	v9 =	vadd.f32 v10, v9;
	v10 =	vmul.f32 v44, v44;
	v38 =	vld.idx.msk [tilespmem:v24+s16+$0x2C70 ss:$0x1], $0xffff;
	s16 =	sor.u32 s22, s21  }
0xba: {  	v32 =	vadd.f32 v32, v34;
	v33 =	vadd.f32 v33, v35;
	v34 =	vmul.f32 v41, v41;
	v40 =	vld.idx.msk [tilespmem:v24+s16+$0x2C40 ss:$0x1], $0xffff  }
0xbb: {  	v8 =	vadd.f32 v36, v8;
	v9 =	vadd.f32 v10, v9;
	v10 =	vmul.f32 v42, v42;
	v35 =	vld.idx.msk [tilespmem:v24+s16+$0x2C50 ss:$0x1], $0xffff  }
0xbc: {  	v30 =	vadd.f32 v30, v32;
	v31 =	vadd.f32 v31, v33;
	v32 =	vmul.f32 v39, v39;
	v36 =	vld.idx.msk [tilespmem:v24+s16+$0x2C00 ss:$0x1], $0xffff  }
0xbd: {  	v8 =	vadd.f32 v34, v8;
	v9 =	vadd.f32 v10, v9;
	v10 =	vmul.f32 v11, v11;
	v33 =	vld.idx.msk [tilespmem:v24+s16+$0x2C10 ss:$0x1], $0xffff  }
0xbe: {  	v28 =	vadd.f32 v28, v30;
	v29 =	vadd.f32 v29, v31;
	v30 =	vmul.f32 v37, v37;
	v11 =	vld.idx.msk [tilespmem:v24+s16+$0x2840 ss:$0x1], $0xffff  }
0xbf: {  	v8 =	vadd.f32 v32, v8;
	v9 =	vadd.f32 v10, v9;
	v10 =	vmul.f32 v38, v38;
	v31 =	vld.idx.msk [tilespmem:v24+s16+$0x2850 ss:$0x1], $0xffff  }
0xc0: {  	v26 =	vadd.f32 v26, v28;
	v27 =	vadd.f32 v27, v29;
	v32 =	vld.idx.msk [tilespmem:v24+s16+$0x2800 ss:$0x1], $0xffff  }
0xc1: {  	v8 =	vadd.f32 v30, v8;
	v9 =	vadd.f32 v10, v9;
	v34 =	vld.idx.msk [tilespmem:v24+s16+$0x2810 ss:$0x1], $0xffff  }
0xc2: {  	v10 =	vld.idx.msk [tilespmem:v24+s16+$0x2440 ss:$0x1], $0xffff  }
0xc3: {  	v26 =	vadd.f32 v27, v26;
	v8 =	vadd.f32 v9, v8;
	v37 =	vld.idx.msk [tilespmem:v24+s16+$0x2450 ss:$0x1], $0xffff  }
0xc4: {  	v9 =	vld.idx.msk [tilespmem:v24+s16+$0x2400 ss:$0x1], $0xffff  }
0xc5: {  	v8 =	vadd.f32 v8, v26;
	v38 =	vld.idx.msk [tilespmem:v24+s16+$0x2410 ss:$0x1], $0xffff  }
0xc6: {  	v39 =	vld.idx.msk [tilespmem:v24+s16+$0x2040 ss:$0x1], $0xffff  }
0xc7: {  	v26 =	vperm.xlane v8, v4;
	v41 =	vld.idx.msk [tilespmem:v24+s16+$0x2050 ss:$0x1], $0xffff  }
0xc8: {  	v42 =	vld.idx.msk [tilespmem:v24+s16+$0x2000 ss:$0x1], $0xffff  }
0xc9: {  	v8 =	vadd.f32 v8, v26;
	v43 =	vld.idx.msk [tilespmem:v24+s16+$0x2010 ss:$0x1], $0xffff  }
0xca: {  	v44 =	vld.idx.msk [tilespmem:v24+s16+$0x1C40 ss:$0x1], $0xffff  }
0xcb: {  	v26 =	vperm.xlane v8, v5;
	v45 =	vld.idx.msk [tilespmem:v24+s16+$0x1C50 ss:$0x1], $0xffff  }
0xcc: {  	v60 =	vld.idx.msk [tilespmem:v24+s16+$0x1C00 ss:$0x1], $0xffff  }
0xcd: {  	v8 =	vadd.f32 v8, v26;
	v61 =	vld.idx.msk [tilespmem:v24+s16+$0x1C10 ss:$0x1], $0xffff  }
0xce: {  	v47 =	vld.idx.msk [tilespmem:v24+s16+$0x1840 ss:$0x1], $0xffff  }
0xcf: {  	v27 =	vperm.xlane v8, v6;
	v46 =	vld.idx.msk [tilespmem:v24+s16+$0x1850 ss:$0x1], $0xffff  }
0xd0: {  	v49 =	vld.idx.msk [tilespmem:v24+s16+$0x1800 ss:$0x1], $0xffff  }
0xd1: {  	v26 =	vmul.f32 v40, v40;
	v8 =	vadd.f32 v8, v27;
	v48 =	vld.idx.msk [tilespmem:v24+s16+$0x1810 ss:$0x1], $0xffff  }
0xd2: {  	v28 =	vmul.f32 v36, v36;
	v27 =	vmul.f32 v35, v35;
	v50 =	vld.idx.msk [tilespmem:v24+s16+$0x1440 ss:$0x1], $0xffff  }
0xd3: {  	v29 =	vmul.f32 v33, v33;
	v35 =	vperm.xlane v8, v7;
	v51 =	vld.idx.msk [tilespmem:v24+s16+$0x1450 ss:$0x1], $0xffff  }
0xd4: {  	v30 =	vmul.f32 v11, v11;
	v11 =	vmov s17;
	s17 =	smov.u32 s19;
	v31 =	vmul.f32 v31, v31;
	v53 =	vld.idx.msk [tilespmem:v24+s16+$0x1400 ss:$0x1], $0xffff  }
0xd5: {  	v32 =	vmul.f32 v32, v32;
	v33 =	vmul.f32 v34, v34;
	v8 =	vadd.f32 v8, v35;
	v52 =	vld.idx.msk [tilespmem:v24+s16+$0x1410 ss:$0x1], $0xffff  }
0xd6: {  	vm1 =	veq.s32 v11, v0;
	v34 =	vmul.f32 v10, v10;
	v35 =	vmul.f32 v37, v37;
	v54 =	vld.idx.msk [tilespmem:v24+s16+$0x1000 ss:$0x1], $0xffff  }
.Ltmp3:
0xd7: {  	v36 =	vmul.f32 v9, v9;
	v37 =	vmul.f32 v38, v38;
	v25 =	vsel vm1, v8, v25;
	v55 =	vld.idx.msk [tilespmem:v24+s16+$0x1010 ss:$0x1], $0xffff;
	(pc) =	sbr.rel @p0 .LBB2_7-.Ltmp3, $4  }
0xd8: {  	v38 =	vmul.f32 v39, v39;
	v39 =	vmul.f32 v41, v41;
	v56 =	vld.idx.msk [tilespmem:v24+s16+$0x1020 ss:$0x1], $0xffff  }
0xd9: {  	v40 =	vmul.f32 v43, v43;
	v41 =	vmul.f32 v42, v42;
	v57 =	vld.idx.msk [tilespmem:v24+s16+$0x1030 ss:$0x1], $0xffff  }
0xda: {  	v43 =	vmul.f32 v44, v44;
	v42 =	vmul.f32 v45, v45;
	v58 =	vld.idx.msk [tilespmem:v24+s16+$0x1040 ss:$0x1], $0xffff  }
0xdb: {  	s19 =	sadd.s32 $0x1, s19;
	v44 =	vmul.f32 v61, v61;
	v45 =	vmul.f32 v60, v60;
	v59 =	vld.idx.msk [tilespmem:v24+s16+$0x1050 ss:$0x1], $0xffff  }
0xdc: {  	_ =	sdelay $0x3  }
0xdd: {  	v8 =	vld.idx.msk [tilespmem:v24+s16+$0x1060 ss:$0x1], $0xffff  }
0xde: {  	v9 =	vld.idx.msk [tilespmem:v24+s16+$0x1070 ss:$0x1], $0xffff  }
0xdf: {  	v11 =	vmul.f32 v53, v53;
	v61 =	vld.idx.msk [tilespmem:v24+s16+$0x1430 ss:$0x1], $0xffff;
	v54 =	vmul.f32 v54, v54  }
0xe0: {  	v55 =	vmul.f32 v55, v55;
	v62 =	vld.idx.msk [tilespmem:v24+s16+$0x1460 ss:$0x1], $0xffff;
	v52 =	vmul.f32 v52, v52  }
0xe1: {  	v50 =	vmul.f32 v50, v50;
	v51 =	vmul.f32 v51, v51  }
0xe2: {  	v10 =	vld.idx.msk [tilespmem:v24+s16+$0x1420 ss:$0x1], $0xffff;
	v56 =	vmul.f32 v56, v56;
	v58 =	vmul.f32 v58, v58  }
0xe3: {  	v63 =	vld.idx.msk [tilespmem:v24+s16+$0x1470 ss:$0x1], $0xffff;
	v57 =	vmul.f32 v57, v57;
	v59 =	vmul.f32 v59, v59  }
0xe4: {  	v60 =	vld.idx.msk [tilespmem:v24+s16+$0x1830 ss:$0x1], $0xffff;
	v54 =	vadd.f32 v58, v54;
	v8 =	vmul.f32 v8, v8;
	v9 =	vmul.f32 v9, v9  }
0xe5: {  	v53 =	vmul.f32 v61, v61;
	v61 =	vmul.f32 v62, v62;
	v62 =	vld.idx.msk [tilespmem:v24+s16+$0x1870 ss:$0x1], $0xffff;
	v55 =	vadd.f32 v59, v55  }
0xe6: {  	v49 =	vmul.f32 v49, v49;
	v9 =	vadd.f32 v9, v57;
	v11 =	vadd.f32 v11, v54;
	v54 =	vld.idx.msk [tilespmem:v24+s16+$0x1820 ss:$0x1], $0xffff  }
0xe7: {  	v48 =	vmul.f32 v48, v48;
	v10 =	vmul.f32 v10, v10;
	v58 =	vld.idx.msk [tilespmem:v24+s16+$0x1C30 ss:$0x1], $0xffff;
	v8 =	vadd.f32 v8, v56  }
0xe8: {  	v47 =	vmul.f32 v47, v47;
	v52 =	vadd.f32 v52, v55;
	v9 =	vadd.f32 v53, v9;
	v53 =	vld.idx.msk [tilespmem:v24+s16+$0x1860 ss:$0x1], $0xffff  }
0xe9: {  	v46 =	vmul.f32 v46, v46;
	v63 =	vmul.f32 v63, v63;
	v59 =	vld.idx.msk [tilespmem:v24+s16+$0x1C60 ss:$0x1], $0xffff;
	v8 =	vadd.f32 v10, v8  }
0xea: {  	v57 =	vld.idx.msk [tilespmem:v24+s16+$0x1C20 ss:$0x1], $0xffff;
	v11 =	vadd.f32 v50, v11;
	v10 =	vmul.f32 v60, v60;
	v51 =	vadd.f32 v51, v52  }
0xeb: {  	v55 =	vld.idx.msk [tilespmem:v24+s16+$0x2060 ss:$0x1], $0xffff;
	v8 =	vadd.f32 v61, v8;
	v9 =	vadd.f32 v63, v9;
	v54 =	vmul.f32 v54, v54  }
0xec: {  	v60 =	vld.idx.msk [tilespmem:v24+s16+$0x1C70 ss:$0x1], $0xffff;
	v62 =	vmul.f32 v62, v62;
	v11 =	vadd.f32 v49, v11;
	v48 =	vadd.f32 v48, v51  }
0xed: {  	v63 =	vld.idx.msk [tilespmem:v24+s16+$0x2030 ss:$0x1], $0xffff;
	v9 =	vadd.f32 v10, v9;
	v8 =	vadd.f32 v54, v8;
	v53 =	vmul.f32 v53, v53  }
0xee: {  	v56 =	vmul.f32 v58, v58;
	v61 =	vadd.f32 v47, v11;
	v11 =	vld.idx.msk [tilespmem:v24+s16+$0x2020 ss:$0x1], $0xffff;
	v46 =	vadd.f32 v46, v48  }
0xef: {  	v50 =	vld.idx.msk [tilespmem:v24+s16+$0x2820 ss:$0x1], $0xffff;
	v9 =	vadd.f32 v62, v9;
	v8 =	vadd.f32 v53, v8;
	v53 =	vmul.f32 v57, v57  }
0xf0: {  	v58 =	vmul.f32 v59, v59;
	v10 =	vadd.f32 v45, v61;
	v44 =	vadd.f32 v44, v46;
	v57 =	vld.idx.msk [tilespmem:v24+s16+$0x2070 ss:$0x1], $0xffff  }
0xf1: {  	v59 =	vld.idx.msk [tilespmem:v24+s16+$0x2420 ss:$0x1], $0xffff;
	v60 =	vmul.f32 v60, v60;
	v9 =	vadd.f32 v56, v9;
	v8 =	vadd.f32 v53, v8  }
0xf2: {  	v61 =	vld.idx.msk [tilespmem:v24+s16+$0x2430 ss:$0x1], $0xffff;
	v48 =	vmul.f32 v63, v63;
	v10 =	vadd.f32 v43, v10;
	v42 =	vadd.f32 v42, v44  }
0xf3: {  	v62 =	vld.idx.msk [tilespmem:v24+s16+$0x2460 ss:$0x1], $0xffff;
	v11 =	vmul.f32 v11, v11;
	v9 =	vadd.f32 v60, v9;
	v8 =	vadd.f32 v58, v8  }
0xf4: {  	v49 =	vmul.f32 v55, v55;
	v63 =	vld.idx.msk [tilespmem:v24+s16+$0x2470 ss:$0x1], $0xffff;
	v10 =	vadd.f32 v41, v10;
	v40 =	vadd.f32 v40, v42  }
0xf5: {  	v52 =	vld.idx.msk [tilespmem:v24+s16+$0x2830 ss:$0x1], $0xffff;
	v9 =	vadd.f32 v48, v9;
	v51 =	vmul.f32 v57, v57;
	v8 =	vadd.f32 v11, v8  }
0xf6: {  	v55 =	vld.idx.msk [tilespmem:v24+s16+$0x2860 ss:$0x1], $0xffff;
	v54 =	vmul.f32 v59, v59;
	v10 =	vadd.f32 v38, v10;
	v53 =	vadd.f32 v39, v40  }
0xf7: {  	v43 =	vld.idx.msk [tilespmem:v24+s16+$0x2C60 ss:$0x1], $0xffff;
	v56 =	vmul.f32 v61, v61;
	v9 =	vadd.f32 v51, v9;
	v8 =	vadd.f32 v49, v8  }
0xf8: {  	v59 =	vmul.f32 v62, v62;
	v57 =	vld.idx.msk [tilespmem:v24+s16+$0x2870 ss:$0x1], $0xffff;
	v10 =	vadd.f32 v36, v10;
	v58 =	vadd.f32 v37, v53  }
0xf9: {  	v62 =	vld.idx.msk [tilespmem:v24+s16+$0x2C30 ss:$0x1], $0xffff;
	v61 =	vmul.f32 v63, v63;
	v9 =	vadd.f32 v56, v9;
	v8 =	vadd.f32 v54, v8  }
0xfa: {  	v44 =	vmul.f32 v52, v52;
	v60 =	vld.idx.msk [tilespmem:v24+s16+$0x2C20 ss:$0x1], $0xffff;
	v10 =	vadd.f32 v34, v10;
	v63 =	vadd.f32 v35, v58  }
0xfb: {  	v41 =	vmul.f32 v50, v50;
	v24 =	vld.idx.msk [tilespmem:v24+s16+$0x2C70 ss:$0x1], $0xffff;
	v9 =	vadd.f32 v61, v9;
	v8 =	vadd.f32 v59, v8  }
0xfc: {  	v46 =	vmul.f32 v55, v55;
	v10 =	vadd.f32 v32, v10;
	v45 =	vadd.f32 v33, v63  }
0xfd: {  	v47 =	vmul.f32 v57, v57;
	v9 =	vadd.f32 v44, v9;
	v8 =	vadd.f32 v41, v8  }
0xfe: {  	v48 =	vmul.f32 v62, v62;
	v10 =	vadd.f32 v30, v10;
	v30 =	vadd.f32 v31, v45  }
0xff: {  	v31 =	vmul.f32 v60, v60;
	v9 =	vadd.f32 v47, v9;
	v8 =	vadd.f32 v46, v8  }
0x100: {  	v49 =	vmul.f32 v24, v24;
	v10 =	vadd.f32 v28, v10;
	v28 =	vadd.f32 v29, v30  }
0x101: {  	v29 =	vmul.f32 v43, v43;
	v9 =	vadd.f32 v48, v9;
	v8 =	vadd.f32 v31, v8  }
0x102: {  	v10 =	vadd.f32 v26, v10;
	v24 =	vadd.f32 v27, v28  }
0x103: {  	v9 =	vadd.f32 v49, v9;
	v8 =	vadd.f32 v29, v8;
	_ =	sdelay $0x1  }
0x104: {  	v10 =	vadd.f32 v24, v10;
	v8 =	vadd.f32 v9, v8;
	_ =	sdelay $0x1  }
0x105: {  	v8 =	vadd.f32 v8, v10;
	_ =	sdelay $0x1  }
0x106: {  	v50 =	vperm.xlane v8, v4;
	_ =	sdelay $0x1  }
0x107: {  	v8 =	vadd.f32 v8, v50;
	_ =	sdelay $0x1  }
0x108: {  	v9 =	vperm.xlane v8, v5;
	_ =	sdelay $0x1  }
0x109: {  	v8 =	vadd.f32 v8, v9;
	_ =	sdelay $0x1  }
0x10a: {  	v9 =	vperm.xlane v8, v6;
	_ =	sdelay $0x1  }
0x10b: {  	v8 =	vadd.f32 v8, v9;
	_ =	sdelay $0x1  }
0x10c: {  	v9 =	vperm.xlane v8, v7;
	_ =	sdelay $0x1  }
0x10d: {  	v51 =	vmov s17;
	v8 =	vadd.f32 v8, v9  }
0x10e: {  	vm1 =	veq.s32 v51, v0  }
0x10f: {  	v8 =	vsel vm1, v8, v25  }
0x110: {  	v8 =	vadd.f32 $9.999999970e-07, v8;
	_ =	sdelay $0x1  }
0x111: {  	v52 =	vshra.s32 v8, $0x1;
	v8 =	vmul.f32 $5.000000000e-01, v8  }
0x112: {  	v9 =	vsub.s32 $0x5F3759DF, v52  }
0x113: {  	v53 =	vmul.f32 v9, v8;
	_ =	sdelay $0x1  }
0x114: {  	v10 =	vmul.f32 v9, v53;
	_ =	sdelay $0x1  }
0x115: {  	v10 =	vsub.f32 $1.500000000e+00, v10;
	_ =	sdelay $0x1  }
0x116: {  	v9 =	vmul.f32 v9, v10;
	_ =	sdelay $0x1  }
0x117: {  	v10 =	vmul.f32 v9, v8;
	_ =	sdelay $0x1  }
0x118: {  	v10 =	vmul.f32 v10, v9;
	_ =	sdelay $0x1  }
0x119: {  	v10 =	vsub.f32 $1.500000000e+00, v10;
	_ =	sdelay $0x1  }
0x11a: {  	v9 =	vmul.f32 v10, v9;
	_ =	sdelay $0x1  }
0x11b: {  	v8 =	vmul.f32 v9, v8;
	_ =	sdelay $0x1  }
0x11c: {  	v8 =	vmul.f32 v8, v9;
	_ =	sdelay $0x1  }
0x11d: {  	v8 =	vsub.f32 $1.500000000e+00, v8  }
0x11e: {  	s20 =	simm.s32 $0x0  }
0x11f: {  	s15 =	sadd.s32 $0x1000, s15;
	s25 =	sand.u32 $0x1C00, s20;
	v8 =	vmul.f32 v8, v9  }
0x120: {  	s26 =	sand.u32 $0x60, s20;
	s16 =	sadd.s32 s25, s15  }
0x121: {  	s18 =	sadd.s32 s26, s16;
	v8 =	vmul.f32 $3.200000000e+01, v8  }
0x122: {  	v55 =	vimm.s32 $0x1;
	v56 =	vimm.s32 $0x2;
	v62 =	vld [tilespmem:s18+$0x280];
	v54 =	vimm.s32 $0x0  }
0x123: {  	v57 =	vimm.s32 $0x3;
	v58 =	vld [tilespmem:s18+$0x300];
	v33 =	vperm.xlane v8, v54;
	v24 =	vperm.xlane v8, v55  }
0x124: {  	s21 =	sadd.s32 $0x2000, s16;
	v61 =	vld [tilespmem:s18+$0x0];
	v32 =	vperm.xlane v8, v56;
	v26 =	vperm.xlane v8, v57  }
0x125: {  	s19 =	sadd.s32 s26, s21;
	v59 =	vld [tilespmem:s18+$0x100];
	v25 =	vperm.xlane v8, v12;
	v28 =	vperm.xlane v8, v13  }
0x126: {  	v10 =	vld [tilespmem:s19+$0x0];
	v34 =	vperm.xlane v8, v14;
	v29 =	vperm.xlane v8, v15  }
0x127: {  	v60 =	vld [tilespmem:s19+$0x180];
	v37 =	vperm.xlane v8, v16;
	v27 =	vperm.xlane v8, v17  }
0x128: {  	v9 =	vld [tilespmem:s19+$0x380];
	v31 =	vperm.xlane v8, v18;
	v38 =	vperm.xlane v8, v19  }
0x129: {  	s22 =	simm.s32 $0x15000;
	v63 =	vld [tilespmem:s19+$0x100];
	v36 =	vperm.xlane v8, v20;
	v30 =	vperm.xlane v8, v21  }
0x12a: {  	v40 =	vld [tilespmem:s22+$0x0];
	v35 =	vperm.xlane v8, v22;
	v39 =	vperm.xlane v8, v23  }
0x12b: {  	v47 =	vld [tilespmem:s19+$0x200];
	v46 =	vmul.f32 v10, v37;
	v44 =	vmul.f32 v59, v32  }
0x12c: {  	v45 =	vld [tilespmem:s19+$0x300];
	v49 =	vmul.f32 v58, v34;
	v43 =	vmul.f32 v60, v38  }
0x12d: {  	s23 =	simm.s32 $0x20;
	s24 =	sor.u32 $0x10, s26;
	v48 =	vld [tilespmem:s19+$0x280];
	v51 =	vmul.f32 v61, v33;
	v42 =	vmul.f32 v9, v39  }
0x12e: {  	s16 =	sadd.s32 s24, s16;
	s17 =	sadd.s32 s24, s21;
	s21 =	simm.s32 $0x0;
	v50 =	vld [tilespmem:s18+$0x380];
	v41 =	vmul.f32 v62, v28;
	v52 =	vmul.f32 v63, v31  }
.LBB2_9:
0x12f: {  	p0 =	sne.s32 s23, $0x3E0;
	v8 =	vld [tilespmem:s19+$0x80];
	s20 =	sadd.s32 $0x100, s20;
	s22 =	sadd.s32 $0x20, s22  }
0x130: {  	v10 =	vmul.f32 v47, v36;
	s25 =	smov.u32 s23;
	s23 =	sadd.s32 $0x20, s23;
	v9 =	vld [tilespmem:s18+$0x200]  }
0x131: {  	v11 =	vmul.f32 v51, v40;
	v46 =	vmul.f32 v46, v40  }
0x132: {  	v48 =	vmul.f32 v48, v30;
	v47 =	vmul.f32 v52, v40  }
0x133: {  	v49 =	vmul.f32 v49, v40;
	v45 =	vmul.f32 v45, v35;
	v51 =	vld [tilespmem:s18+$0x180];
	[tilespmem:s19+$0x0] =	vst v46  }
0x134: {  	v10 =	vmul.f32 v10, v40;
	v46 =	vmul.f32 v50, v29;
	[tilespmem:s19+$0x100] =	vst v47;
	v47 =	vld [tilespmem:s17+$0x0]  }
0x135: {  	v44 =	vmul.f32 v44, v40;
	v8 =	vmul.f32 v8, v27;
	v50 =	vld [tilespmem:s18+$0x80];
	[tilespmem:s18+$0x300] =	vst v49  }
0x136: {  	[tilespmem:s18+$0x0] =	vst v11;
	v11 =	vmul.f32 v43, v40;
	v43 =	vmul.f32 v48, v40;
	v48 =	vld [tilespmem:s17+$0x100]  }
0x137: {  	v8 =	vmul.f32 v8, v40;
	[tilespmem:s18+$0x100] =	vst v44;
	v44 =	vmul.f32 v46, v40;
	v46 =	vld [tilespmem:s16+$0x0]  }
0x138: {  	v49 =	vmul.f32 v51, v26;
	[tilespmem:s19+$0x180] =	vst v11;
	v11 =	vmul.f32 v45, v40;
	v45 =	vld [tilespmem:s16+$0x100]  }
0x139: {  	v42 =	vmul.f32 v42, v40;
	v9 =	vmul.f32 v9, v25;
	[tilespmem:s19+$0x280] =	vst v43;
	v43 =	vld [tilespmem:s17+$0x180]  }
0x13a: {  	v50 =	vmul.f32 v50, v24;
	v49 =	vmul.f32 v49, v40;
	[tilespmem:s19+$0x200] =	vst v10;
	v10 =	vld [tilespmem:s16+$0x300]  }
0x13b: {  	v41 =	vmul.f32 v41, v40;
	v9 =	vmul.f32 v9, v40;
	[tilespmem:s19+$0x380] =	vst v42;
	v42 =	vld [tilespmem:s17+$0x280]  }
0x13c: {  	v40 =	vmul.f32 v50, v40;
	[tilespmem:s18+$0x380] =	vst v44;
	v44 =	vld [tilespmem:s17+$0x380]  }
0x13d: {  	[tilespmem:s18+$0x180] =	vst v49;
	v49 =	vld [tilespmem:s17+$0x200]  }
0x13e: {  	v45 =	vmul.f32 v45, v32;
	[tilespmem:s18+$0x200] =	vst v9;
	v9 =	vmul.f32 v46, v33;
	v46 =	vld [tilespmem:s16+$0x180]  }
0x13f: {  	v48 =	vmul.f32 v48, v31;
	[tilespmem:s18+$0x80] =	vst v40;
	v40 =	vld [tilespmem:s16+$0x200]  }
0x140: {  	v47 =	vmul.f32 v47, v37;
	[tilespmem:s19+$0x80] =	vst v8;
	v8 =	vld [tilespmem:s16+$0x80]  }
0x141: {  	[tilespmem:s19+$0x300] =	vst v11;
	s19 =	sand.u32 $0x380, s21;
	v11 =	vld [tilespmem:s17+$0x80];
	v44 =	vmul.f32 v44, v39;
	s21 =	smov.u32 s25  }
0x142: {  	v10 =	vmul.f32 v10, v34;
	[tilespmem:s18+$0x280] =	vst v41;
	s18 =	sor.u32 s24, s19;
	v41 =	vld [tilespmem:s17+$0x300]  }
0x143: {  	v43 =	vmul.f32 v43, v38;
	v50 =	vld [tilespmem:s18+$0x15000]  }
0x144: {  	v51 =	vld [tilespmem:s16+$0x280]  }
0x145: {  	v46 =	vmul.f32 v46, v26;
	v8 =	vmul.f32 v8, v24;
	v52 =	vld [tilespmem:s16+$0x380]  }
0x146: {  	v42 =	vmul.f32 v42, v30;
	s18 =	sand.u32 $0x1C00, s20;
	v40 =	vmul.f32 v40, v25  }
0x147: {  	s24 =	sand.u32 $0x60, s21;
	v49 =	vmul.f32 v49, v36;
	s26 =	sadd.s32 s18, s15;
	v41 =	vmul.f32 v41, v35  }
0x148: {  	s18 =	sadd.s32 s24, s26;
	s25 =	sadd.s32 $0x2000, s26;
	v9 =	vmul.f32 v9, v50;
	v44 =	vmul.f32 v44, v50  }
0x149: {  	s19 =	sadd.s32 s24, s25;
	v47 =	vmul.f32 v47, v50;
	v51 =	vmul.f32 v51, v28  }
0x14a: {  	v43 =	vmul.f32 v43, v50;
	v49 =	vmul.f32 v49, v50;
	[tilespmem:s17+$0x380] =	vst v44  }
0x14b: {  	v41 =	vmul.f32 v41, v50;
	v44 =	vmul.f32 v51, v50;
	[tilespmem:s17+$0x0] =	vst v47  }
0x14c: {  	v10 =	vmul.f32 v10, v50;
	v47 =	vmul.f32 v48, v50;
	[tilespmem:s17+$0x180] =	vst v43  }
0x14d: {  	v11 =	vmul.f32 v11, v27;
	v53 =	vld [tilespmem:s19+$0x380];
	[tilespmem:s16+$0x0] =	vst v9;
	v9 =	vmul.f32 v45, v50  }
0x14e: {  	v43 =	vmul.f32 v46, v50;
	[tilespmem:s16+$0x300] =	vst v10;
	v10 =	vmul.f32 v52, v29  }
0x14f: {  	v11 =	vmul.f32 v11, v50;
	v45 =	vld [tilespmem:s19+$0x0];
	[tilespmem:s16+$0x100] =	vst v9;
	v9 =	vmul.f32 v40, v50  }
0x150: {  	v42 =	vmul.f32 v42, v50;
	v40 =	vld [tilespmem:s18+$0x300];
	v10 =	vmul.f32 v10, v50;
	[tilespmem:s17+$0x200] =	vst v49  }
0x151: {  	v8 =	vmul.f32 v8, v50;
	v48 =	vld [tilespmem:s18+$0x100];
	[tilespmem:s17+$0x300] =	vst v41  }
0x152: {  	s24 =	sor.u32 $0x10, s24;
	[tilespmem:s16+$0x380] =	vst v10  }
0x153: {  	s26 =	sadd.s32 s24, s26;
	[tilespmem:s17+$0x100] =	vst v47  }
0x154: {  	v10 =	vld [tilespmem:s19+$0x180];
	[tilespmem:s16+$0x280] =	vst v44  }
0x155: {  	v46 =	vmul.f32 v45, v37;
	v41 =	vld [tilespmem:s18+$0x0];
	[tilespmem:s17+$0x280] =	vst v42  }
0x156: {  	v50 =	vld [tilespmem:s18+$0x280];
	[tilespmem:s17+$0x80] =	vst v11  }
0x157: {  	v11 =	vld [tilespmem:s19+$0x100];
	[tilespmem:s16+$0x180] =	vst v43  }
.Ltmp4:
0x158: {  	v44 =	vmul.f32 v48, v32;
	v47 =	vld [tilespmem:s19+$0x200];
	[tilespmem:s16+$0x200] =	vst v9;
	(pc) =	sbr.rel @p0 .LBB2_9-.Ltmp4, $4  }
0x159: {  	v49 =	vmul.f32 v40, v34;
	s17 =	sadd.s32 s24, s25;
	v43 =	vmul.f32 v10, v38;
	v48 =	vld [tilespmem:s19+$0x280];
	[tilespmem:s16+$0x80] =	vst v8;
	s16 =	smov.u32 s26  }
0x15a: {  	v42 =	vmul.f32 v53, v39;
	v40 =	vld [tilespmem:s22+$0x0];
	v51 =	vmul.f32 v41, v33  }
0x15b: {  	v45 =	vld [tilespmem:s19+$0x300]  }
0x15c: {  	v41 =	vmul.f32 v50, v28;
	v50 =	vld [tilespmem:s18+$0x380];
	v52 =	vmul.f32 v11, v31  }
0x15d: {  	_ =	sdelay $0x1  }
0x15e: {  	v8 =	vmul.f32 v46, v40  }
0x15f: {  	v9 =	vmul.f32 v52, v40  }
0x160: {  	v10 =	vmul.f32 v49, v40;
	[tilespmem:s19+$0x0] =	vst v8  }
0x161: {  	v44 =	vmul.f32 v44, v40;
	[tilespmem:s19+$0x100] =	vst v9  }
0x162: {  	v48 =	vmul.f32 v48, v30;
	v54 =	vmul.f32 v42, v40;
	[tilespmem:s18+$0x300] =	vst v10  }
0x163: {  	v63 =	vld [tilespmem:s18+$0x200];
	v61 =	vmul.f32 v41, v40;
	[tilespmem:s18+$0x100] =	vst v44  }
0x164: {  	v11 =	vld [tilespmem:s18+$0x180];
	v49 =	vmul.f32 v47, v36;
	v46 =	vmul.f32 v48, v40;
	[tilespmem:s19+$0x380] =	vst v54  }
0x165: {  	v8 =	vmul.f32 v51, v40;
	v51 =	vld [tilespmem:s18+$0x80];
	[tilespmem:s18+$0x280] =	vst v61  }
0x166: {  	v52 =	vld [tilespmem:s19+$0x80];
	v58 =	vmul.f32 v45, v35;
	v10 =	vmul.f32 v49, v40;
	[tilespmem:s19+$0x280] =	vst v46  }
0x167: {  	v53 =	vmul.f32 v50, v29;
	[tilespmem:s18+$0x0] =	vst v8;
	v8 =	vmul.f32 v43, v40  }
0x168: {  	v9 =	vmul.f32 v63, v25;
	v59 =	vmul.f32 v58, v40;
	[tilespmem:s19+$0x200] =	vst v10  }
0x169: {  	v55 =	vmul.f32 v53, v40;
	[tilespmem:s19+$0x180] =	vst v8;
	v8 =	vmul.f32 v11, v26  }
0x16a: {  	v9 =	vmul.f32 v9, v40;
	[tilespmem:s19+$0x300] =	vst v59;
	v56 =	vmul.f32 v51, v24  }
0x16b: {  	v57 =	vmul.f32 v52, v27;
	[tilespmem:s18+$0x380] =	vst v55;
	v8 =	vmul.f32 v8, v40  }
0x16c: {  	[tilespmem:s18+$0x200] =	vst v9;
	v10 =	vmul.f32 v56, v40  }
0x16d: {  	v60 =	vld [tilespmem:s17+$0x0];
	[tilespmem:s18+$0x180] =	vst v8;
	v8 =	vmul.f32 v57, v40  }
0x16e: {  	s23 =	sand.u32 $0x380, s21;
	v62 =	vld [tilespmem:s17+$0x180];
	[tilespmem:s18+$0x80] =	vst v10  }
0x16f: {  	s24 =	sor.u32 s24, s23;
	[tilespmem:s19+$0x80] =	vst v8;
	v8 =	vld [tilespmem:s17+$0x380]  }
0x170: {  	v11 =	vld [tilespmem:s24+$0x15000]  }
0x171: {  	v63 =	vld [tilespmem:s16+$0x0]  }
0x172: {  	v45 =	vld [tilespmem:s16+$0x300]  }
0x173: {  	v47 =	vld [tilespmem:s17+$0x200];
	v10 =	vmul.f32 v60, v37  }
0x174: {  	v46 =	vld [tilespmem:s16+$0x100];
	v9 =	vmul.f32 v62, v38  }
0x175: {  	v48 =	vld [tilespmem:s17+$0x300];
	v8 =	vmul.f32 v8, v39;
	v10 =	vmul.f32 v10, v11  }
0x176: {  	v49 =	vld [tilespmem:s16+$0x380];
	v33 =	vmul.f32 v63, v33;
	v9 =	vmul.f32 v9, v11  }
0x177: {  	v50 =	vld [tilespmem:s17+$0x100];
	v34 =	vmul.f32 v45, v34;
	v8 =	vmul.f32 v8, v11;
	[tilespmem:s17+$0x0] =	vst v10  }
0x178: {  	v51 =	vld [tilespmem:s16+$0x280];
	v53 =	vmul.f32 v47, v36;
	v33 =	vmul.f32 v33, v11;
	[tilespmem:s17+$0x180] =	vst v9  }
0x179: {  	v56 =	vld [tilespmem:s16+$0x180];
	v34 =	vmul.f32 v34, v11;
	[tilespmem:s17+$0x380] =	vst v8;
	v8 =	vmul.f32 v46, v32  }
0x17a: {  	v58 =	vld [tilespmem:s16+$0x200];
	v55 =	vmul.f32 v48, v35;
	v36 =	vmul.f32 v53, v11;
	[tilespmem:s16+$0x0] =	vst v33  }
0x17b: {  	v52 =	vld [tilespmem:s17+$0x280];
	v57 =	vmul.f32 v49, v29;
	[tilespmem:s16+$0x300] =	vst v34;
	v8 =	vmul.f32 v8, v11  }
0x17c: {  	v31 =	vmul.f32 v50, v31;
	v54 =	vld [tilespmem:s17+$0x80];
	v35 =	vmul.f32 v55, v11;
	[tilespmem:s17+$0x200] =	vst v36  }
0x17d: {  	v28 =	vmul.f32 v51, v28;
	v29 =	vmul.f32 v57, v11;
	[tilespmem:s16+$0x100] =	vst v8;
	v8 =	vld [tilespmem:s16+$0x80]  }
0x17e: {  	v60 =	vmul.f32 v56, v26;
	v59 =	vmul.f32 v31, v11;
	[tilespmem:s17+$0x300] =	vst v35  }
0x17f: {  	v61 =	vmul.f32 v58, v25;
	v28 =	vmul.f32 v28, v11;
	[tilespmem:s16+$0x380] =	vst v29  }
0x180: {  	v62 =	vmul.f32 v60, v11;
	v10 =	vmul.f32 v52, v30;
	[tilespmem:s17+$0x100] =	vst v59  }
0x181: {  	s25 =	sshll.u32 s13, $0xB;
	s13 =	sadd.s32 $0x1, s13;
	v63 =	vmul.f32 v61, v11;
	v9 =	vmul.f32 v54, v27;
	[tilespmem:s16+$0x280] =	vst v28  }
0x182: {  	p0 =	sne.s32 s13, $0x20;
	[tilespmem:s16+$0x180] =	vst v62;
	v10 =	vmul.f32 v10, v11;
	v8 =	vmul.f32 v8, v24  }
.Ltmp5:
0x183: {  	[tilespmem:s16+$0x200] =	vst v63;
	v9 =	vmul.f32 v9, v11;
	(pc) =	sbr.rel @p0 .LBB2_2-.Ltmp5, $4  }
0x184: {  	[tilespmem:s17+$0x280] =	vst v10;
	v8 =	vmul.f32 v8, v11  }
0x185: {  	[tilespmem:s17+$0x80] =	vst v9  }
0x186: {  	s14 =	sadd.s32 $0x6, s14;
	s26 =	sadd.s32 s25, s9;
	[tilespmem:s16+$0x80] =	vst v8  }
0x187: {  	[hbm4b:s26+s3] =	stream.linear.scatter [tilespmem:s15], [sflag:s14], $0x4000, $0x38;
	[tilespmem:$0x15400] =	vst v63  }
0x188: {  	_ =	swait.ge [sflag:s30], $0x4000  }
0x189: {  	[sflag:s30] =	ssyncset.done $0x0  }
0x18a: {  	[sflag:s30] =	ssyncadd.s32 $0xFFFFC000  }
0x18b: {  	_ =	swait.ge [sflag:s31], $0x4000  }
0x18c: {  	[sflag:s31] =	ssyncset.done $0x0  }
0x18d: {  	[sflag:s31] =	ssyncadd.s32 $0xFFFFC000  }
0x18e: {  	_ =	swait.ge [sflag:s4], $0x4000  }
0x18f: {  	[sflag:s4] =	ssyncset.done $0x0  }
0x190: {  	s12 =	sadd.s32 $0x1, s12;
	[sflag:s4] =	ssyncadd.s32 $0xFFFFC000  }
0x191: {  	p0 =	sne.s32 s12, s10;
	_ =	swait.ge [sflag:s2], $0x4000  }
.Ltmp6:
0x192: {  	[sflag:s2] =	ssyncset.done $0x0;
	(pc) =	sbr.rel @p0 .LBB2_1-.Ltmp6, $4  }
0x193: {  	[sflag:s2] =	ssyncadd.s32 $0xFFFFC000  }
0x194: {  	_ =	swait.ge [sflag:s1], $0x4000  }
0x195: {  	[sflag:s1] =	ssyncset.done $0x0  }
0x196: {  	[sflag:s1] =	ssyncadd.s32 $0xFFFFC000  }
0x197: {  	_ =	sfence.sel $0x180000  }
0x198: {  	[bflag:$0x0] =	sbarrier.arrive $0xFFFF  }
0x199: {  	_ =	strace $0x90000047  }
0x19a: {  	s0 =	stileid.u32;
	[bflag:$0x2] =	sbarrier.arrive $0xFFFF  }
0x19b: {  	p0 =	sne.s32 s0, $0x0;
	s0 =	rddreg [dreg:$0x4]  }
0x19c: {  	s0 =	sadd.s32 @!p0 $0x100000, s0  }
0x19d: {  	[sflag:s0] =	ssyncadd.tile.s32 @!p0 $0x1;
	_ =	shalt  }
.Lfunc_end2:
_tile_overlayer_lowered:
.L_overlay_start_2:
0x19e: {  	(tag) =	ssettag $0x2  }
0x19f: {  	s0 =	rddreg [dreg:$0x0];
	s2 =	stileid.u32  }
0x1a0: {  	s1 =	rddreg [dreg:$0x1];
	p0 =	sne.s32 s2, $0x0  }
0x1a1: {  	s3 =	rddreg [dreg:$0x2];
	[bflag:$0x3] =	sbarrier.arrive $0xFFFF;
	s2 =	simm.s32 @!p0 $0x1C0B  }
0x1a2: {  	[timem:s3], [sflag:s2] =	dma.local @!p0 [hbm:s0], s1  }
0x1a3: {  	s0 =	simm.s32 @!p0 $0xB  }
0x1a4: {  	_ =	swait.ge @!p0 [sflag:s0], s1  }
0x1a5: {  	s1 =	ssub.s32 @!p0 $0x0, s1;
	[sflag:s0] =	ssyncset.done @!p0 $0x0  }
0x1a6: {  	[sflag:s0] =	ssyncadd.s32 @!p0 s1  }
0x1a7: {  	[bflag:$0x3] =	sbarrier.arrive $0xFFFF  }
0x1a8: {  	_ =	shalt  }

</sc_bundles>
